<compile_context>
chip_gen: v7x
topology: tpu7x:2x2x1
jax: 0.10.2.dev20260603
libtpu: 0.0.44.dev20260713+nightly
codegen_flags: <defaults>
</compile_context>

<pallas_src>
import functools

import jax
import jax.numpy as jnp
from jax import lax
from jax.experimental import pallas as pl
from jax.experimental.pallas import tpu as pltpu
from jax.experimental.pallas import tpu_sc as plsc

_NW = 32
_D = 8
_CHUNK = 512

_GATHER_DNUMS = lax.GatherDimensionNumbers(
    offset_dims=(), collapsed_slice_dims=(0,), start_index_map=(0,)
)


def _vgather(vec, idx):
    return lax.gather(
        vec, idx[:, None], _GATHER_DNUMS, (1,),
        mode=lax.GatherScatterMode.PROMISE_IN_BOUNDS,
    )


@functools.lru_cache(maxsize=None)
def _gather_call(nb, ns):
    n_tok = nb * ns
    tpw = n_tok // _NW
    tiles_per_b = ns // tpw
    n_chunk = tpw // _CHUNK
    mesh = plsc.VectorSubcoreMesh(core_axis_name="c", subcore_axis_name="s")

    @functools.partial(
        pl.kernel,
        mesh=mesh,
        out_type=jax.ShapeDtypeStruct((nb * _D, ns), jnp.float32),
        scratch_types=[
            pltpu.VMEM((_D, 16), jnp.float32),
            pltpu.VMEM((tpw,), jnp.int32),
            pltpu.VMEM((_D * _CHUNK,), jnp.float32),
            pltpu.VMEM((_D * _CHUNK,), jnp.float32),
            pltpu.SemaphoreType.DMA,
            pltpu.SemaphoreType.DMA,
        ],
    )
    def k(ids_hbm, t3_hbm, out_hbm, t3_v, ids_v, out_a, out_b, sem_a, sem_b):
        wid = lax.axis_index("s") * 2 + lax.axis_index("c")
        bidx = wid // tiles_per_b
        s0 = (wid % tiles_per_b) * tpw
        pltpu.sync_copy(t3_hbm, t3_v)
        pltpu.sync_copy(ids_hbm.at[bidx, pl.ds(s0, tpw)], ids_v)

        leaves = [t3_v[j, :] for j in range(_D)]

        bufs = (out_a, out_b)
        sems = (sem_a, sem_b)
        handles = [None, None]
        for cc in range(n_chunk):
            p = cc & 1
            if handles[p] is not None:
                for h in handles[p]:
                    h.wait()
            out_v = bufs[p]

            def group_body(g2, carry, cc=cc, out_v=out_v):
                for u in range(2):
                    g = 2 * g2 + u
                    idv = ids_v[pl.ds(cc * _CHUNK + g * 16, 16)]
                    for j in range(_D):
                        out_v[pl.ds(j * _CHUNK + g * 16, 16)] = _vgather(
                            leaves[j], idv
                        )
                return carry

            lax.fori_loop(0, _CHUNK // 32, group_body, 0)
            handles[p] = [
                pltpu.async_copy(
                    out_v.at[pl.ds(j * _CHUNK, _CHUNK)],
                    out_hbm.at[bidx * _D + j,
                               pl.ds(s0 + cc * _CHUNK, _CHUNK)],
                    sems[p],
                )
                for j in range(_D)
            ]
        for hs in handles:
            if hs is not None:
                for h in hs:
                    h.wait()

    return k


def _table_body(w_emb_ref, w_proj_ref, b_ref, t3_ref):
    t = lax.dot_general(
        w_emb_ref[...], w_proj_ref[...],
        (((1,), (1,)), ((), ())),
        preferred_element_type=jnp.float32,
    ) + b_ref[...]
    t_t = t.T
    t3_ref[...] = jnp.concatenate([t_t, t_t], axis=1)


def _fused_table3(W_emb, W_proj, b_proj):
    return pl.pallas_call(
        _table_body,
        out_shape=jax.ShapeDtypeStruct((_D, 16), jnp.float32),
    )(W_emb, W_proj, b_proj.reshape(1, _D))


def kernel(input_ids, W_emb, W_proj, b_proj):
    nb, ns = input_ids.shape
    ids = input_ids.astype(jnp.int32)
    t3 = _fused_table3(W_emb, W_proj, b_proj)
    stage = _gather_call(nb, ns)(ids, t3)
    return stage.reshape(nb, _D, ns).transpose(0, 2, 1)

# --- scband reference (transcript-rebuilt; emitter-appended) ---
"""Pipeline reference for scband-tiny-lm-13151189861144 (READ-ONLY COPY).

The authoritative reference and input builder live on the scoring server;
editing this copy changes nothing except your own understanding.
"""

import jax, jax.numpy as jnp
import numpy as np


def setup_inputs(seed: int = 0) -> dict:
    key = jax.random.key(seed)
    k1, k2, k3, k4 = jax.random.split(key, 4)
    input_ids = jax.random.randint(k1, (4, 8192), 0, 8)
    # learned params: nn.Embedding(8, 8) and nn.Linear(8, 8)
    W_emb = jax.random.normal(k2, (8, 8), dtype=jnp.float32)
    W_proj = jax.random.normal(k3, (8, 8), dtype=jnp.float32) * 0.1
    b_proj = jax.random.normal(k4, (8,), dtype=jnp.float32) * 0.01
    return {"input_ids": input_ids, "W_emb": W_emb, "W_proj": W_proj, "b_proj": b_proj}


def reference(input_ids, W_emb, W_proj, b_proj):
    # hidden = self.embedding(input_ids)
    hidden = jnp.take(W_emb, input_ids, axis=0)          # [B, S, 8]
    # logits = self.proj(hidden)  (torch Linear: x @ W.T + b)
    logits = hidden @ W_proj.T + b_proj                  # [B, S, 8]
    # labels=None -> loss is None; return logits (the forward output tensor)
    return logits

if __name__ == "__main__":
    import jax
    _d = setup_inputs()
    print(jax.jit(kernel)(*tuple(_d.values())))

</pallas_src>

<mosaic_0001>
#map = affine_map<(d0, d1) -> (0, 0)>
module attributes {stable_mosaic.version = 14 : i64} {
  func.func @k(%arg0: i32, %arg1: i32, %arg2: memref<4x8192xi32, #tpu.memory_space<hbm>>, %arg3: memref<8x16xf32, #tpu.memory_space<hbm>>, %arg4: memref<32x8192xf32, #tpu.memory_space<hbm>>, %arg5: memref<8x16xf32, #tpu.memory_space<vmem>>, %arg6: memref<1024xi32, #tpu.memory_space<vmem>>, %arg7: memref<4096xf32, #tpu.memory_space<vmem>>, %arg8: memref<4096xf32, #tpu.memory_space<vmem>>, %arg9: memref<!tpu.dma_semaphore, #tpu.memory_space<semaphore_mem>>, %arg10: memref<!tpu.dma_semaphore, #tpu.memory_space<semaphore_mem>>) attributes {dimension_semantics = [#tpu.dimension_semantics<core_parallel>, #tpu.dimension_semantics<subcore_parallel>], iteration_bounds = array<i64: 2, 16>, scalar_prefetch = 0 : i64, scratch_operands = 6 : i64, tpu.core_type = #tpu.core_type<sc_vector_subcore>, window_params = [{transform_indices = #map}, {transform_indices = #map}, {transform_indices = #map}]} {
    %mul3A = arith.constant 2 : i32
    %mul3A_0 = arith.muli %arg1, %mul3A : i32
    %add3A = arith.addi %mul3A_0, %arg0 : i32
    %jit3A = arith.constant 8 : i32
    %div3A = arith.divsi %add3A, %jit3A : i32
    %sign3A = arith.constant 0 : i32
    %sign3A_1 = arith.cmpi sgt, %add3A, %sign3A : i32
    %sign3A_2 = arith.extui %sign3A_1 : i1 to i32
    %sign3A_3 = arith.constant 0 : i32
    %sign3A_4 = arith.cmpi slt, %add3A, %sign3A_3 : i32
    %sign3A_5 = arith.extui %sign3A_4 : i1 to i32
    %sign3A_6 = arith.subi %sign3A_2, %sign3A_5 : i32
    %sign3A_7 = arith.constant 0 : i32
    %sign3A_8 = arith.cmpi sgt, %jit3A, %sign3A_7 : i32
    %sign3A_9 = arith.extui %sign3A_8 : i1 to i32
    %sign3A_10 = arith.constant 0 : i32
    %sign3A_11 = arith.cmpi slt, %jit3A, %sign3A_10 : i32
    %sign3A_12 = arith.extui %sign3A_11 : i1 to i32
    %sign3A_13 = arith.subi %sign3A_9, %sign3A_12 : i32
    %ne3A = arith.cmpi ne, %sign3A_6, %sign3A_13 : i32
    %rem3A = arith.remsi %add3A, %jit3A : i32
    %ne3A_14 = arith.constant 0 : i32
    %ne3A_15 = arith.cmpi ne, %rem3A, %ne3A_14 : i32
    %and3A = arith.andi %ne3A, %ne3A_15 : i1
    %sub3A = arith.constant 1 : i32
    %sub3A_16 = arith.subi %div3A, %sub3A : i32
    %select_n3A = arith.select %and3A, %sub3A_16, %div3A : i32
    %jit3A_17 = arith.constant 8 : i32
    %eq3A = arith.constant 0 : i32
    %eq3A_18 = arith.cmpi eq, %jit3A_17, %eq3A : i32
    %jit3A_19 = arith.constant 1 : i32
    %select_n3A_20 = arith.select %eq3A_18, %jit3A_19, %jit3A_17 : i32
    %rem3A_21 = arith.remsi %add3A, %select_n3A_20 : i32
    %ne3A_22 = arith.constant 0 : i32
    %ne3A_23 = arith.cmpi ne, %rem3A_21, %ne3A_22 : i32
    %lt3A = arith.constant 0 : i32
    %lt3A_24 = arith.cmpi slt, %rem3A_21, %lt3A : i32
    %lt3A_25 = arith.constant 0 : i32
    %lt3A_26 = arith.cmpi slt, %select_n3A_20, %lt3A_25 : i32
    %ne3A_27 = arith.xori %lt3A_24, %lt3A_26 : i1
    %and3A_28 = arith.andi %ne3A_27, %ne3A_23 : i1
    %add3A_29 = arith.addi %rem3A_21, %select_n3A_20 : i32
    %select_n3A_30 = arith.select %and3A_28, %add3A_29, %rem3A_21 : i32
    %mul3A_31 = arith.constant 1024 : i32
    %mul3A_32 = arith.muli %select_n3A_30, %mul3A_31 : i32
    "tpu.region"() ({
      %run_scoped3A = tpu.sem_alloc : memref<!tpu.dma_semaphore, #tpu.memory_space<semaphore_mem>>
      tpu.enqueue_dma source(%arg3 : memref<8x16xf32, #tpu.memory_space<hbm>>) target(%arg5 : memref<8x16xf32, #tpu.memory_space<vmem>>) target_semaphore(%run_scoped3A : memref<!tpu.dma_semaphore, #tpu.memory_space<semaphore_mem>>)
      tpu.wait_dma2 semaphore(%run_scoped3A : memref<!tpu.dma_semaphore, #tpu.memory_space<semaphore_mem>>) src(%arg3 : memref<8x16xf32, #tpu.memory_space<hbm>>) dst(%arg5 : memref<8x16xf32, #tpu.memory_space<vmem>>)
      tpu.yield
    }) : () -> ()
    "tpu.region"() ({
      %run_scoped3A = tpu.sem_alloc : memref<!tpu.dma_semaphore, #tpu.memory_space<semaphore_mem>>
      %dma_start3A_433 = tpu.memref_slice %arg2[%select_n3A, %mul3A_32] : memref<4x8192xi32, #tpu.memory_space<hbm>> -> memref<1x1024xi32, #tpu.memory_space<hbm>>
      %dma_start3A_434 = tpu.memref_squeeze %dma_start3A_433 : memref<1x1024xi32, #tpu.memory_space<hbm>> -> memref<1024xi32, #tpu.memory_space<hbm>>
      %dma_start3A_435 = tpu.memref_slice %arg2[%select_n3A, %mul3A_32] : memref<4x8192xi32, #tpu.memory_space<hbm>> -> memref<1x1024xi32, #tpu.memory_space<hbm>>
      %dma_start3A_436 = tpu.memref_squeeze %dma_start3A_435 : memref<1x1024xi32, #tpu.memory_space<hbm>> -> memref<1024xi32, #tpu.memory_space<hbm>>
      tpu.enqueue_dma source(%dma_start3A_436 : memref<1024xi32, #tpu.memory_space<hbm>>) target(%arg6 : memref<1024xi32, #tpu.memory_space<vmem>>) target_semaphore(%run_scoped3A : memref<!tpu.dma_semaphore, #tpu.memory_space<semaphore_mem>>)
      %dma_wait3A_437 = tpu.memref_slice %arg2[%select_n3A, %mul3A_32] : memref<4x8192xi32, #tpu.memory_space<hbm>> -> memref<1x1024xi32, #tpu.memory_space<hbm>>
      %dma_wait3A_438 = tpu.memref_squeeze %dma_wait3A_437 : memref<1x1024xi32, #tpu.memory_space<hbm>> -> memref<1024xi32, #tpu.memory_space<hbm>>
      %dma_wait3A_439 = tpu.memref_slice %arg2[%select_n3A, %mul3A_32] : memref<4x8192xi32, #tpu.memory_space<hbm>> -> memref<1x1024xi32, #tpu.memory_space<hbm>>
      %dma_wait3A_440 = tpu.memref_squeeze %dma_wait3A_439 : memref<1x1024xi32, #tpu.memory_space<hbm>> -> memref<1024xi32, #tpu.memory_space<hbm>>
      tpu.wait_dma2 semaphore(%run_scoped3A : memref<!tpu.dma_semaphore, #tpu.memory_space<semaphore_mem>>) src(%dma_wait3A_440 : memref<1024xi32, #tpu.memory_space<hbm>>) dst(%arg6 : memref<1024xi32, #tpu.memory_space<vmem>>)
      tpu.yield
    }) : () -> ()
    %get3A = arith.constant 0 : i32
    %get3A_33 = arith.index_cast %get3A : i32 to index
    %get3A_34 = arith.constant 0 : index
    %get3A_35 = tpu.vector_load %arg5[%get3A_33, %get3A_34] {strides = array<i32>} : memref<8x16xf32, #tpu.memory_space<vmem>>, vector<1x16xf32>,
    %get3A_36 = vector.shape_cast %get3A_35 : vector<1x16xf32> to vector<16xf32>
    %get3A_37 = arith.constant 1 : i32
    %get3A_38 = arith.index_cast %get3A_37 : i32 to index
    %get3A_39 = arith.constant 0 : index
    %get3A_40 = tpu.vector_load %arg5[%get3A_38, %get3A_39] {strides = array<i32>} : memref<8x16xf32, #tpu.memory_space<vmem>>, vector<1x16xf32>,
    %get3A_41 = vector.shape_cast %get3A_40 : vector<1x16xf32> to vector<16xf32>
    %get3A_42 = arith.constant 2 : i32
    %get3A_43 = arith.index_cast %get3A_42 : i32 to index
    %get3A_44 = arith.constant 0 : index
    %get3A_45 = tpu.vector_load %arg5[%get3A_43, %get3A_44] {strides = array<i32>} : memref<8x16xf32, #tpu.memory_space<vmem>>, vector<1x16xf32>,
    %get3A_46 = vector.shape_cast %get3A_45 : vector<1x16xf32> to vector<16xf32>
    %get3A_47 = arith.constant 3 : i32
    %get3A_48 = arith.index_cast %get3A_47 : i32 to index
    %get3A_49 = arith.constant 0 : index
    %get3A_50 = tpu.vector_load %arg5[%get3A_48, %get3A_49] {strides = array<i32>} : memref<8x16xf32, #tpu.memory_space<vmem>>, vector<1x16xf32>,
    %get3A_51 = vector.shape_cast %get3A_50 : vector<1x16xf32> to vector<16xf32>
    %get3A_52 = arith.constant 4 : i32
    %get3A_53 = arith.index_cast %get3A_52 : i32 to index
    %get3A_54 = arith.constant 0 : index
    %get3A_55 = tpu.vector_load %arg5[%get3A_53, %get3A_54] {strides = array<i32>} : memref<8x16xf32, #tpu.memory_space<vmem>>, vector<1x16xf32>,
    %get3A_56 = vector.shape_cast %get3A_55 : vector<1x16xf32> to vector<16xf32>
    %get3A_57 = arith.constant 5 : i32
    %get3A_58 = arith.index_cast %get3A_57 : i32 to index
    %get3A_59 = arith.constant 0 : index
    %get3A_60 = tpu.vector_load %arg5[%get3A_58, %get3A_59] {strides = array<i32>} : memref<8x16xf32, #tpu.memory_space<vmem>>, vector<1x16xf32>,
    %get3A_61 = vector.shape_cast %get3A_60 : vector<1x16xf32> to vector<16xf32>
    %get3A_62 = arith.constant 6 : i32
    %get3A_63 = arith.index_cast %get3A_62 : i32 to index
    %get3A_64 = arith.constant 0 : index
    %get3A_65 = tpu.vector_load %arg5[%get3A_63, %get3A_64] {strides = array<i32>} : memref<8x16xf32, #tpu.memory_space<vmem>>, vector<1x16xf32>,
    %get3A_66 = vector.shape_cast %get3A_65 : vector<1x16xf32> to vector<16xf32>
    %get3A_67 = arith.constant 7 : i32
    %get3A_68 = arith.index_cast %get3A_67 : i32 to index
    %get3A_69 = arith.constant 0 : index
    %get3A_70 = tpu.vector_load %arg5[%get3A_68, %get3A_69] {strides = array<i32>} : memref<8x16xf32, #tpu.memory_space<vmem>>, vector<1x16xf32>,
    %get3A_71 = vector.shape_cast %get3A_70 : vector<1x16xf32> to vector<16xf32>
    %scan3A = arith.constant 0 : i32
    %scan3A_72 = arith.constant 0 : i32
    %scan3A_73 = arith.constant 16 : i32
    %scan3A_74 = arith.addi %scan3A_72, %scan3A_73 : i32
    %scan3A_75 = arith.constant 1 : i32
    scf.for %scan3A_433 = %scan3A_72 to %scan3A_74 step %scan3A_75  : i32 {
      %mul3A_434 = arith.constant 2 : i32
      %mul3A_435 = arith.muli %mul3A_434, %scan3A_433 : i32
      %add3A_436 = arith.constant 0 : i32
      %add3A_437 = arith.addi %mul3A_435, %add3A_436 : i32
      %mul3A_438 = arith.constant 16 : i32
      %mul3A_439 = arith.muli %add3A_437, %mul3A_438 : i32
      %add3A_440 = arith.constant 0 : i32
      %add3A_441 = arith.addi %add3A_440, %mul3A_439 : i32
      %get3A_442 = arith.index_cast %add3A_441 : i32 to index
      %get3A_443 = tpu.vector_load %arg6[%get3A_442] {strides = array<i32>} : memref<1024xi32, #tpu.memory_space<vmem>>, vector<16xi32>,
      %get3A_444 = vector.shape_cast %get3A_443 : vector<16xi32> to vector<16xi32>
      %broadcast_in_dim3A = vector.shape_cast %get3A_444 : vector<16xi32> to vector<16x1xi32>
      %gather3A = vector.shape_cast %broadcast_in_dim3A : vector<16x1xi32> to vector<16xi32>
      %gather3A_445 = tpu.dynamic_gather %get3A_36[%gather3A] in [0] : vector<16xf32>, vector<16xi32> -> vector<16xf32>
      %mul3A_446 = arith.constant 16 : i32
      %mul3A_447 = arith.muli %add3A_437, %mul3A_446 : i32
      %add3A_448 = arith.constant 0 : i32
      %add3A_449 = arith.addi %add3A_448, %mul3A_447 : i32
      %swap3A = arith.index_cast %add3A_449 : i32 to index
      %swap3A_450 = tpu.vector_load %arg7[%swap3A] {strides = array<i32>} : memref<4096xf32, #tpu.memory_space<vmem>>, vector<16xf32>,
      %swap3A_451 = vector.shape_cast %swap3A_450 : vector<16xf32> to vector<16xf32>
      %swap3A_452 = vector.shape_cast %gather3A_445 : vector<16xf32> to vector<16xf32>
      tpu.vector_store %arg7[%swap3A], %swap3A_452 {strides = array<i32>} : memref<4096xf32, #tpu.memory_space<vmem>>, vector<16xf32>,
      %broadcast_in_dim3A_453 = vector.shape_cast %get3A_444 : vector<16xi32> to vector<16x1xi32>
      %gather3A_454 = vector.shape_cast %broadcast_in_dim3A_453 : vector<16x1xi32> to vector<16xi32>
      %gather3A_455 = tpu.dynamic_gather %get3A_41[%gather3A_454] in [0] : vector<16xf32>, vector<16xi32> -> vector<16xf32>
      %mul3A_456 = arith.constant 16 : i32
      %mul3A_457 = arith.muli %add3A_437, %mul3A_456 : i32
      %add3A_458 = arith.constant 512 : i32
      %add3A_459 = arith.addi %add3A_458, %mul3A_457 : i32
      %swap3A_460 = arith.index_cast %add3A_459 : i32 to index
      %swap3A_461 = tpu.vector_load %arg7[%swap3A_460] {strides = array<i32>} : memref<4096xf32, #tpu.memory_space<vmem>>, vector<16xf32>,
      %swap3A_462 = vector.shape_cast %swap3A_461 : vector<16xf32> to vector<16xf32>
      %swap3A_463 = vector.shape_cast %gather3A_455 : vector<16xf32> to vector<16xf32>
      tpu.vector_store %arg7[%swap3A_460], %swap3A_463 {strides = array<i32>} : memref<4096xf32, #tpu.memory_space<vmem>>, vector<16xf32>,
      %broadcast_in_dim3A_464 = vector.shape_cast %get3A_444 : vector<16xi32> to vector<16x1xi32>
      %gather3A_465 = vector.shape_cast %broadcast_in_dim3A_464 : vector<16x1xi32> to vector<16xi32>
      %gather3A_466 = tpu.dynamic_gather %get3A_46[%gather3A_465] in [0] : vector<16xf32>, vector<16xi32> -> vector<16xf32>
      %mul3A_467 = arith.constant 16 : i32
      %mul3A_468 = arith.muli %add3A_437, %mul3A_467 : i32
      %add3A_469 = arith.constant 1024 : i32
      %add3A_470 = arith.addi %add3A_469, %mul3A_468 : i32
      %swap3A_471 = arith.index_cast %add3A_470 : i32 to index
      %swap3A_472 = tpu.vector_load %arg7[%swap3A_471] {strides = array<i32>} : memref<4096xf32, #tpu.memory_space<vmem>>, vector<16xf32>,
      %swap3A_473 = vector.shape_cast %swap3A_472 : vector<16xf32> to vector<16xf32>
      %swap3A_474 = vector.shape_cast %gather3A_466 : vector<16xf32> to vector<16xf32>
      tpu.vector_store %arg7[%swap3A_471], %swap3A_474 {strides = array<i32>} : memref<4096xf32, #tpu.memory_space<vmem>>, vector<16xf32>,
      %broadcast_in_dim3A_475 = vector.shape_cast %get3A_444 : vector<16xi32> to vector<16x1xi32>
      %gather3A_476 = vector.shape_cast %broadcast_in_dim3A_475 : vector<16x1xi32> to vector<16xi32>
      %gather3A_477 = tpu.dynamic_gather %get3A_51[%gather3A_476] in [0] : vector<16xf32>, vector<16xi32> -> vector<16xf32>
      %mul3A_478 = arith.constant 16 : i32
      %mul3A_479 = arith.muli %add3A_437, %mul3A_478 : i32
      %add3A_480 = arith.constant 1536 : i32
      %add3A_481 = arith.addi %add3A_480, %mul3A_479 : i32
      %swap3A_482 = arith.index_cast %add3A_481 : i32 to index
      %swap3A_483 = tpu.vector_load %arg7[%swap3A_482] {strides = array<i32>} : memref<4096xf32, #tpu.memory_space<vmem>>, vector<16xf32>,
      %swap3A_484 = vector.shape_cast %swap3A_483 : vector<16xf32> to vector<16xf32>
      %swap3A_485 = vector.shape_cast %gather3A_477 : vector<16xf32> to vector<16xf32>
      tpu.vector_store %arg7[%swap3A_482], %swap3A_485 {strides = array<i32>} : memref<4096xf32, #tpu.memory_space<vmem>>, vector<16xf32>,
      %broadcast_in_dim3A_486 = vector.shape_cast %get3A_444 : vector<16xi32> to vector<16x1xi32>
      %gather3A_487 = vector.shape_cast %broadcast_in_dim3A_486 : vector<16x1xi32> to vector<16xi32>
      %gather3A_488 = tpu.dynamic_gather %get3A_56[%gather3A_487] in [0] : vector<16xf32>, vector<16xi32> -> vector<16xf32>
      %mul3A_489 = arith.constant 16 : i32
      %mul3A_490 = arith.muli %add3A_437, %mul3A_489 : i32
      %add3A_491 = arith.constant 2048 : i32
      %add3A_492 = arith.addi %add3A_491, %mul3A_490 : i32
      %swap3A_493 = arith.index_cast %add3A_492 : i32 to index
      %swap3A_494 = tpu.vector_load %arg7[%swap3A_493] {strides = array<i32>} : memref<4096xf32, #tpu.memory_space<vmem>>, vector<16xf32>,
      %swap3A_495 = vector.shape_cast %swap3A_494 : vector<16xf32> to vector<16xf32>
      %swap3A_496 = vector.shape_cast %gather3A_488 : vector<16xf32> to vector<16xf32>
      tpu.vector_store %arg7[%swap3A_493], %swap3A_496 {strides = array<i32>} : memref<4096xf32, #tpu.memory_space<vmem>>, vector<16xf32>,
      %broadcast_in_dim3A_497 = vector.shape_cast %get3A_444 : vector<16xi32> to vector<16x1xi32>
      %gather3A_498 = vector.shape_cast %broadcast_in_dim3A_497 : vector<16x1xi32> to vector<16xi32>
      %gather3A_499 = tpu.dynamic_gather %get3A_61[%gather3A_498] in [0] : vector<16xf32>, vector<16xi32> -> vector<16xf32>
      %mul3A_500 = arith.constant 16 : i32
      %mul3A_501 = arith.muli %add3A_437, %mul3A_500 : i32
      %add3A_502 = arith.constant 2560 : i32
      %add3A_503 = arith.addi %add3A_502, %mul3A_501 : i32
      %swap3A_504 = arith.index_cast %add3A_503 : i32 to index
      %swap3A_505 = tpu.vector_load %arg7[%swap3A_504] {strides = array<i32>} : memref<4096xf32, #tpu.memory_space<vmem>>, vector<16xf32>,
      %swap3A_506 = vector.shape_cast %swap3A_505 : vector<16xf32> to vector<16xf32>
      %swap3A_507 = vector.shape_cast %gather3A_499 : vector<16xf32> to vector<16xf32>
      tpu.vector_store %arg7[%swap3A_504], %swap3A_507 {strides = array<i32>} : memref<4096xf32, #tpu.memory_space<vmem>>, vector<16xf32>,
      %broadcast_in_dim3A_508 = vector.shape_cast %get3A_444 : vector<16xi32> to vector<16x1xi32>
      %gather3A_509 = vector.shape_cast %broadcast_in_dim3A_508 : vector<16x1xi32> to vector<16xi32>
      %gather3A_510 = tpu.dynamic_gather %get3A_66[%gather3A_509] in [0] : vector<16xf32>, vector<16xi32> -> vector<16xf32>
      %mul3A_511 = arith.constant 16 : i32
      %mul3A_512 = arith.muli %add3A_437, %mul3A_511 : i32
      %add3A_513 = arith.constant 3072 : i32
      %add3A_514 = arith.addi %add3A_513, %mul3A_512 : i32
      %swap3A_515 = arith.index_cast %add3A_514 : i32 to index
      %swap3A_516 = tpu.vector_load %arg7[%swap3A_515] {strides = array<i32>} : memref<4096xf32, #tpu.memory_space<vmem>>, vector<16xf32>,
      %swap3A_517 = vector.shape_cast %swap3A_516 : vector<16xf32> to vector<16xf32>
      %swap3A_518 = vector.shape_cast %gather3A_510 : vector<16xf32> to vector<16xf32>
      tpu.vector_store %arg7[%swap3A_515], %swap3A_518 {strides = array<i32>} : memref<4096xf32, #tpu.memory_space<vmem>>, vector<16xf32>,
      %broadcast_in_dim3A_519 = vector.shape_cast %get3A_444 : vector<16xi32> to vector<16x1xi32>
      %gather3A_520 = vector.shape_cast %broadcast_in_dim3A_519 : vector<16x1xi32> to vector<16xi32>
      %gather3A_521 = tpu.dynamic_gather %get3A_71[%gather3A_520] in [0] : vector<16xf32>, vector<16xi32> -> vector<16xf32>
      %mul3A_522 = arith.constant 16 : i32
      %mul3A_523 = arith.muli %add3A_437, %mul3A_522 : i32
      %add3A_524 = arith.constant 3584 : i32
      %add3A_525 = arith.addi %add3A_524, %mul3A_523 : i32
      %swap3A_526 = arith.index_cast %add3A_525 : i32 to index
      %swap3A_527 = tpu.vector_load %arg7[%swap3A_526] {strides = array<i32>} : memref<4096xf32, #tpu.memory_space<vmem>>, vector<16xf32>,
      %swap3A_528 = vector.shape_cast %swap3A_527 : vector<16xf32> to vector<16xf32>
      %swap3A_529 = vector.shape_cast %gather3A_521 : vector<16xf32> to vector<16xf32>
      tpu.vector_store %arg7[%swap3A_526], %swap3A_529 {strides = array<i32>} : memref<4096xf32, #tpu.memory_space<vmem>>, vector<16xf32>,
      %mul3A_530 = arith.constant 2 : i32
      %mul3A_531 = arith.muli %mul3A_530, %scan3A_433 : i32
      %add3A_532 = arith.constant 1 : i32
      %add3A_533 = arith.addi %mul3A_531, %add3A_532 : i32
      %mul3A_534 = arith.constant 16 : i32
      %mul3A_535 = arith.muli %add3A_533, %mul3A_534 : i32
      %add3A_536 = arith.constant 0 : i32
      %add3A_537 = arith.addi %add3A_536, %mul3A_535 : i32
      %get3A_538 = arith.index_cast %add3A_537 : i32 to index
      %get3A_539 = tpu.vector_load %arg6[%get3A_538] {strides = array<i32>} : memref<1024xi32, #tpu.memory_space<vmem>>, vector<16xi32>,
      %get3A_540 = vector.shape_cast %get3A_539 : vector<16xi32> to vector<16xi32>
      %broadcast_in_dim3A_541 = vector.shape_cast %get3A_540 : vector<16xi32> to vector<16x1xi32>
      %gather3A_542 = vector.shape_cast %broadcast_in_dim3A_541 : vector<16x1xi32> to vector<16xi32>
      %gather3A_543 = tpu.dynamic_gather %get3A_36[%gather3A_542] in [0] : vector<16xf32>, vector<16xi32> -> vector<16xf32>
      %mul3A_544 = arith.constant 16 : i32
      %mul3A_545 = arith.muli %add3A_533, %mul3A_544 : i32
      %add3A_546 = arith.constant 0 : i32
      %add3A_547 = arith.addi %add3A_546, %mul3A_545 : i32
      %swap3A_548 = arith.index_cast %add3A_547 : i32 to index
      %swap3A_549 = tpu.vector_load %arg7[%swap3A_548] {strides = array<i32>} : memref<4096xf32, #tpu.memory_space<vmem>>, vector<16xf32>,
      %swap3A_550 = vector.shape_cast %swap3A_549 : vector<16xf32> to vector<16xf32>
      %swap3A_551 = vector.shape_cast %gather3A_543 : vector<16xf32> to vector<16xf32>
      tpu.vector_store %arg7[%swap3A_548], %swap3A_551 {strides = array<i32>} : memref<4096xf32, #tpu.memory_space<vmem>>, vector<16xf32>,
      %broadcast_in_dim3A_552 = vector.shape_cast %get3A_540 : vector<16xi32> to vector<16x1xi32>
      %gather3A_553 = vector.shape_cast %broadcast_in_dim3A_552 : vector<16x1xi32> to vector<16xi32>
      %gather3A_554 = tpu.dynamic_gather %get3A_41[%gather3A_553] in [0] : vector<16xf32>, vector<16xi32> -> vector<16xf32>
      %mul3A_555 = arith.constant 16 : i32
      %mul3A_556 = arith.muli %add3A_533, %mul3A_555 : i32
      %add3A_557 = arith.constant 512 : i32
      %add3A_558 = arith.addi %add3A_557, %mul3A_556 : i32
      %swap3A_559 = arith.index_cast %add3A_558 : i32 to index
      %swap3A_560 = tpu.vector_load %arg7[%swap3A_559] {strides = array<i32>} : memref<4096xf32, #tpu.memory_space<vmem>>, vector<16xf32>,
      %swap3A_561 = vector.shape_cast %swap3A_560 : vector<16xf32> to vector<16xf32>
      %swap3A_562 = vector.shape_cast %gather3A_554 : vector<16xf32> to vector<16xf32>
      tpu.vector_store %arg7[%swap3A_559], %swap3A_562 {strides = array<i32>} : memref<4096xf32, #tpu.memory_space<vmem>>, vector<16xf32>,
      %broadcast_in_dim3A_563 = vector.shape_cast %get3A_540 : vector<16xi32> to vector<16x1xi32>
      %gather3A_564 = vector.shape_cast %broadcast_in_dim3A_563 : vector<16x1xi32> to vector<16xi32>
      %gather3A_565 = tpu.dynamic_gather %get3A_46[%gather3A_564] in [0] : vector<16xf32>, vector<16xi32> -> vector<16xf32>
      %mul3A_566 = arith.constant 16 : i32
      %mul3A_567 = arith.muli %add3A_533, %mul3A_566 : i32
      %add3A_568 = arith.constant 1024 : i32
      %add3A_569 = arith.addi %add3A_568, %mul3A_567 : i32
      %swap3A_570 = arith.index_cast %add3A_569 : i32 to index
      %swap3A_571 = tpu.vector_load %arg7[%swap3A_570] {strides = array<i32>} : memref<4096xf32, #tpu.memory_space<vmem>>, vector<16xf32>,
      %swap3A_572 = vector.shape_cast %swap3A_571 : vector<16xf32> to vector<16xf32>
      %swap3A_573 = vector.shape_cast %gather3A_565 : vector<16xf32> to vector<16xf32>
      tpu.vector_store %arg7[%swap3A_570], %swap3A_573 {strides = array<i32>} : memref<4096xf32, #tpu.memory_space<vmem>>, vector<16xf32>,
      %broadcast_in_dim3A_574 = vector.shape_cast %get3A_540 : vector<16xi32> to vector<16x1xi32>
      %gather3A_575 = vector.shape_cast %broadcast_in_dim3A_574 : vector<16x1xi32> to vector<16xi32>
      %gather3A_576 = tpu.dynamic_gather %get3A_51[%gather3A_575] in [0] : vector<16xf32>, vector<16xi32> -> vector<16xf32>
      %mul3A_577 = arith.constant 16 : i32
      %mul3A_578 = arith.muli %add3A_533, %mul3A_577 : i32
      %add3A_579 = arith.constant 1536 : i32
      %add3A_580 = arith.addi %add3A_579, %mul3A_578 : i32
      %swap3A_581 = arith.index_cast %add3A_580 : i32 to index
      %swap3A_582 = tpu.vector_load %arg7[%swap3A_581] {strides = array<i32>} : memref<4096xf32, #tpu.memory_space<vmem>>, vector<16xf32>,
      %swap3A_583 = vector.shape_cast %swap3A_582 : vector<16xf32> to vector<16xf32>
      %swap3A_584 = vector.shape_cast %gather3A_576 : vector<16xf32> to vector<16xf32>
      tpu.vector_store %arg7[%swap3A_581], %swap3A_584 {strides = array<i32>} : memref<4096xf32, #tpu.memory_space<vmem>>, vector<16xf32>,
      %broadcast_in_dim3A_585 = vector.shape_cast %get3A_540 : vector<16xi32> to vector<16x1xi32>
      %gather3A_586 = vector.shape_cast %broadcast_in_dim3A_585 : vector<16x1xi32> to vector<16xi32>
      %gather3A_587 = tpu.dynamic_gather %get3A_56[%gather3A_586] in [0] : vector<16xf32>, vector<16xi32> -> vector<16xf32>
      %mul3A_588 = arith.constant 16 : i32
      %mul3A_589 = arith.muli %add3A_533, %mul3A_588 : i32
      %add3A_590 = arith.constant 2048 : i32
      %add3A_591 = arith.addi %add3A_590, %mul3A_589 : i32
      %swap3A_592 = arith.index_cast %add3A_591 : i32 to index
      %swap3A_593 = tpu.vector_load %arg7[%swap3A_592] {strides = array<i32>} : memref<4096xf32, #tpu.memory_space<vmem>>, vector<16xf32>,
      %swap3A_594 = vector.shape_cast %swap3A_593 : vector<16xf32> to vector<16xf32>
      %swap3A_595 = vector.shape_cast %gather3A_587 : vector<16xf32> to vector<16xf32>
      tpu.vector_store %arg7[%swap3A_592], %swap3A_595 {strides = array<i32>} : memref<4096xf32, #tpu.memory_space<vmem>>, vector<16xf32>,
      %broadcast_in_dim3A_596 = vector.shape_cast %get3A_540 : vector<16xi32> to vector<16x1xi32>
      %gather3A_597 = vector.shape_cast %broadcast_in_dim3A_596 : vector<16x1xi32> to vector<16xi32>
      %gather3A_598 = tpu.dynamic_gather %get3A_61[%gather3A_597] in [0] : vector<16xf32>, vector<16xi32> -> vector<16xf32>
      %mul3A_599 = arith.constant 16 : i32
      %mul3A_600 = arith.muli %add3A_533, %mul3A_599 : i32
      %add3A_601 = arith.constant 2560 : i32
      %add3A_602 = arith.addi %add3A_601, %mul3A_600 : i32
      %swap3A_603 = arith.index_cast %add3A_602 : i32 to index
      %swap3A_604 = tpu.vector_load %arg7[%swap3A_603] {strides = array<i32>} : memref<4096xf32, #tpu.memory_space<vmem>>, vector<16xf32>,
      %swap3A_605 = vector.shape_cast %swap3A_604 : vector<16xf32> to vector<16xf32>
      %swap3A_606 = vector.shape_cast %gather3A_598 : vector<16xf32> to vector<16xf32>
      tpu.vector_store %arg7[%swap3A_603], %swap3A_606 {strides = array<i32>} : memref<4096xf32, #tpu.memory_space<vmem>>, vector<16xf32>,
      %broadcast_in_dim3A_607 = vector.shape_cast %get3A_540 : vector<16xi32> to vector<16x1xi32>
      %gather3A_608 = vector.shape_cast %broadcast_in_dim3A_607 : vector<16x1xi32> to vector<16xi32>
      %gather3A_609 = tpu.dynamic_gather %get3A_66[%gather3A_608] in [0] : vector<16xf32>, vector<16xi32> -> vector<16xf32>
      %mul3A_610 = arith.constant 16 : i32
      %mul3A_611 = arith.muli %add3A_533, %mul3A_610 : i32
      %add3A_612 = arith.constant 3072 : i32
      %add3A_613 = arith.addi %add3A_612, %mul3A_611 : i32
      %swap3A_614 = arith.index_cast %add3A_613 : i32 to index
      %swap3A_615 = tpu.vector_load %arg7[%swap3A_614] {strides = array<i32>} : memref<4096xf32, #tpu.memory_space<vmem>>, vector<16xf32>,
      %swap3A_616 = vector.shape_cast %swap3A_615 : vector<16xf32> to vector<16xf32>
      %swap3A_617 = vector.shape_cast %gather3A_609 : vector<16xf32> to vector<16xf32>
      tpu.vector_store %arg7[%swap3A_614], %swap3A_617 {strides = array<i32>} : memref<4096xf32, #tpu.memory_space<vmem>>, vector<16xf32>,
      %broadcast_in_dim3A_618 = vector.shape_cast %get3A_540 : vector<16xi32> to vector<16x1xi32>
      %gather3A_619 = vector.shape_cast %broadcast_in_dim3A_618 : vector<16x1xi32> to vector<16xi32>
      %gather3A_620 = tpu.dynamic_gather %get3A_71[%gather3A_619] in [0] : vector<16xf32>, vector<16xi32> -> vector<16xf32>
      %mul3A_621 = arith.constant 16 : i32
      %mul3A_622 = arith.muli %add3A_533, %mul3A_621 : i32
      %add3A_623 = arith.constant 3584 : i32
      %add3A_624 = arith.addi %add3A_623, %mul3A_622 : i32
      %swap3A_625 = arith.index_cast %add3A_624 : i32 to index
      %swap3A_626 = tpu.vector_load %arg7[%swap3A_625] {strides = array<i32>} : memref<4096xf32, #tpu.memory_space<vmem>>, vector<16xf32>,
      %swap3A_627 = vector.shape_cast %swap3A_626 : vector<16xf32> to vector<16xf32>
      %swap3A_628 = vector.shape_cast %gather3A_620 : vector<16xf32> to vector<16xf32>
      tpu.vector_store %arg7[%swap3A_625], %swap3A_628 {strides = array<i32>} : memref<4096xf32, #tpu.memory_space<vmem>>, vector<16xf32>,
    }
    %scan3A_76 = arith.constant 16 : i32
    %mul3A_77 = arith.constant 8 : i32
    %mul3A_78 = arith.muli %select_n3A, %mul3A_77 : i32
    %add3A_79 = arith.constant 0 : i32
    %add3A_80 = arith.addi %mul3A_78, %add3A_79 : i32
    %add3A_81 = arith.constant 0 : i32
    %add3A_82 = arith.addi %mul3A_32, %add3A_81 : i32
    %dma_start3A = arith.constant 0 : i32
    %dma_start3A_83 = tpu.memref_slice %arg7[%dma_start3A] : memref<4096xf32, #tpu.memory_space<vmem>> -> memref<512xf32, #tpu.memory_space<vmem>>
    %dma_start3A_84 = tpu.memref_slice %arg4[%add3A_80, %add3A_82] : memref<32x8192xf32, #tpu.memory_space<hbm>> -> memref<1x512xf32, #tpu.memory_space<hbm>>
    %dma_start3A_85 = tpu.memref_squeeze %dma_start3A_84 : memref<1x512xf32, #tpu.memory_space<hbm>> -> memref<512xf32, #tpu.memory_space<hbm>>
    %dma_start3A_86 = tpu.memref_slice %arg4[%add3A_80, %add3A_82] : memref<32x8192xf32, #tpu.memory_space<hbm>> -> memref<1x512xf32, #tpu.memory_space<hbm>>
    %dma_start3A_87 = tpu.memref_squeeze %dma_start3A_86 : memref<1x512xf32, #tpu.memory_space<hbm>> -> memref<512xf32, #tpu.memory_space<hbm>>
    %dma_start3A_88 = arith.constant 0 : i32
    %dma_start3A_89 = tpu.memref_slice %arg7[%dma_start3A_88] : memref<4096xf32, #tpu.memory_space<vmem>> -> memref<512xf32, #tpu.memory_space<vmem>>
    tpu.enqueue_dma source(%dma_start3A_89 : memref<512xf32, #tpu.memory_space<vmem>>) target(%dma_start3A_87 : memref<512xf32, #tpu.memory_space<hbm>>) target_semaphore(%arg9 : memref<!tpu.dma_semaphore, #tpu.memory_space<semaphore_mem>>)
    %mul3A_90 = arith.constant 8 : i32
    %mul3A_91 = arith.muli %select_n3A, %mul3A_90 : i32
    %add3A_92 = arith.constant 1 : i32
    %add3A_93 = arith.addi %mul3A_91, %add3A_92 : i32
    %add3A_94 = arith.constant 0 : i32
    %add3A_95 = arith.addi %mul3A_32, %add3A_94 : i32
    %dma_start3A_96 = arith.constant 512 : i32
    %dma_start3A_97 = tpu.memref_slice %arg7[%dma_start3A_96] : memref<4096xf32, #tpu.memory_space<vmem>> -> memref<512xf32, #tpu.memory_space<vmem>>
    %dma_start3A_98 = tpu.memref_slice %arg4[%add3A_93, %add3A_95] : memref<32x8192xf32, #tpu.memory_space<hbm>> -> memref<1x512xf32, #tpu.memory_space<hbm>>
    %dma_start3A_99 = tpu.memref_squeeze %dma_start3A_98 : memref<1x512xf32, #tpu.memory_space<hbm>> -> memref<512xf32, #tpu.memory_space<hbm>>
    %dma_start3A_100 = tpu.memref_slice %arg4[%add3A_93, %add3A_95] : memref<32x8192xf32, #tpu.memory_space<hbm>> -> memref<1x512xf32, #tpu.memory_space<hbm>>
    %dma_start3A_101 = tpu.memref_squeeze %dma_start3A_100 : memref<1x512xf32, #tpu.memory_space<hbm>> -> memref<512xf32, #tpu.memory_space<hbm>>
    %dma_start3A_102 = arith.constant 512 : i32
    %dma_start3A_103 = tpu.memref_slice %arg7[%dma_start3A_102] : memref<4096xf32, #tpu.memory_space<vmem>> -> memref<512xf32, #tpu.memory_space<vmem>>
    tpu.enqueue_dma source(%dma_start3A_103 : memref<512xf32, #tpu.memory_space<vmem>>) target(%dma_start3A_101 : memref<512xf32, #tpu.memory_space<hbm>>) target_semaphore(%arg9 : memref<!tpu.dma_semaphore, #tpu.memory_space<semaphore_mem>>)
    %mul3A_104 = arith.constant 8 : i32
    %mul3A_105 = arith.muli %select_n3A, %mul3A_104 : i32
    %add3A_106 = arith.constant 2 : i32
    %add3A_107 = arith.addi %mul3A_105, %add3A_106 : i32
    %add3A_108 = arith.constant 0 : i32
    %add3A_109 = arith.addi %mul3A_32, %add3A_108 : i32
    %dma_start3A_110 = arith.constant 1024 : i32
    %dma_start3A_111 = tpu.memref_slice %arg7[%dma_start3A_110] : memref<4096xf32, #tpu.memory_space<vmem>> -> memref<512xf32, #tpu.memory_space<vmem>>
    %dma_start3A_112 = tpu.memref_slice %arg4[%add3A_107, %add3A_109] : memref<32x8192xf32, #tpu.memory_space<hbm>> -> memref<1x512xf32, #tpu.memory_space<hbm>>
    %dma_start3A_113 = tpu.memref_squeeze %dma_start3A_112 : memref<1x512xf32, #tpu.memory_space<hbm>> -> memref<512xf32, #tpu.memory_space<hbm>>
    %dma_start3A_114 = tpu.memref_slice %arg4[%add3A_107, %add3A_109] : memref<32x8192xf32, #tpu.memory_space<hbm>> -> memref<1x512xf32, #tpu.memory_space<hbm>>
    %dma_start3A_115 = tpu.memref_squeeze %dma_start3A_114 : memref<1x512xf32, #tpu.memory_space<hbm>> -> memref<512xf32, #tpu.memory_space<hbm>>
    %dma_start3A_116 = arith.constant 1024 : i32
    %dma_start3A_117 = tpu.memref_slice %arg7[%dma_start3A_116] : memref<4096xf32, #tpu.memory_space<vmem>> -> memref<512xf32, #tpu.memory_space<vmem>>
    tpu.enqueue_dma source(%dma_start3A_117 : memref<512xf32, #tpu.memory_space<vmem>>) target(%dma_start3A_115 : memref<512xf32, #tpu.memory_space<hbm>>) target_semaphore(%arg9 : memref<!tpu.dma_semaphore, #tpu.memory_space<semaphore_mem>>)
    %mul3A_118 = arith.constant 8 : i32
    %mul3A_119 = arith.muli %select_n3A, %mul3A_118 : i32
    %add3A_120 = arith.constant 3 : i32
    %add3A_121 = arith.addi %mul3A_119, %add3A_120 : i32
    %add3A_122 = arith.constant 0 : i32
    %add3A_123 = arith.addi %mul3A_32, %add3A_122 : i32
    %dma_start3A_124 = arith.constant 1536 : i32
    %dma_start3A_125 = tpu.memref_slice %arg7[%dma_start3A_124] : memref<4096xf32, #tpu.memory_space<vmem>> -> memref<512xf32, #tpu.memory_space<vmem>>
    %dma_start3A_126 = tpu.memref_slice %arg4[%add3A_121, %add3A_123] : memref<32x8192xf32, #tpu.memory_space<hbm>> -> memref<1x512xf32, #tpu.memory_space<hbm>>
    %dma_start3A_127 = tpu.memref_squeeze %dma_start3A_126 : memref<1x512xf32, #tpu.memory_space<hbm>> -> memref<512xf32, #tpu.memory_space<hbm>>
    %dma_start3A_128 = tpu.memref_slice %arg4[%add3A_121, %add3A_123] : memref<32x8192xf32, #tpu.memory_space<hbm>> -> memref<1x512xf32, #tpu.memory_space<hbm>>
    %dma_start3A_129 = tpu.memref_squeeze %dma_start3A_128 : memref<1x512xf32, #tpu.memory_space<hbm>> -> memref<512xf32, #tpu.memory_space<hbm>>
    %dma_start3A_130 = arith.constant 1536 : i32
    %dma_start3A_131 = tpu.memref_slice %arg7[%dma_start3A_130] : memref<4096xf32, #tpu.memory_space<vmem>> -> memref<512xf32, #tpu.memory_space<vmem>>
    tpu.enqueue_dma source(%dma_start3A_131 : memref<512xf32, #tpu.memory_space<vmem>>) target(%dma_start3A_129 : memref<512xf32, #tpu.memory_space<hbm>>) target_semaphore(%arg9 : memref<!tpu.dma_semaphore, #tpu.memory_space<semaphore_mem>>)
    %mul3A_132 = arith.constant 8 : i32
    %mul3A_133 = arith.muli %select_n3A, %mul3A_132 : i32
    %add3A_134 = arith.constant 4 : i32
    %add3A_135 = arith.addi %mul3A_133, %add3A_134 : i32
    %add3A_136 = arith.constant 0 : i32
    %add3A_137 = arith.addi %mul3A_32, %add3A_136 : i32
    %dma_start3A_138 = arith.constant 2048 : i32
    %dma_start3A_139 = tpu.memref_slice %arg7[%dma_start3A_138] : memref<4096xf32, #tpu.memory_space<vmem>> -> memref<512xf32, #tpu.memory_space<vmem>>
    %dma_start3A_140 = tpu.memref_slice %arg4[%add3A_135, %add3A_137] : memref<32x8192xf32, #tpu.memory_space<hbm>> -> memref<1x512xf32, #tpu.memory_space<hbm>>
    %dma_start3A_141 = tpu.memref_squeeze %dma_start3A_140 : memref<1x512xf32, #tpu.memory_space<hbm>> -> memref<512xf32, #tpu.memory_space<hbm>>
    %dma_start3A_142 = tpu.memref_slice %arg4[%add3A_135, %add3A_137] : memref<32x8192xf32, #tpu.memory_space<hbm>> -> memref<1x512xf32, #tpu.memory_space<hbm>>
    %dma_start3A_143 = tpu.memref_squeeze %dma_start3A_142 : memref<1x512xf32, #tpu.memory_space<hbm>> -> memref<512xf32, #tpu.memory_space<hbm>>
    %dma_start3A_144 = arith.constant 2048 : i32
    %dma_start3A_145 = tpu.memref_slice %arg7[%dma_start3A_144] : memref<4096xf32, #tpu.memory_space<vmem>> -> memref<512xf32, #tpu.memory_space<vmem>>
    tpu.enqueue_dma source(%dma_start3A_145 : memref<512xf32, #tpu.memory_space<vmem>>) target(%dma_start3A_143 : memref<512xf32, #tpu.memory_space<hbm>>) target_semaphore(%arg9 : memref<!tpu.dma_semaphore, #tpu.memory_space<semaphore_mem>>)
    %mul3A_146 = arith.constant 8 : i32
    %mul3A_147 = arith.muli %select_n3A, %mul3A_146 : i32
    %add3A_148 = arith.constant 5 : i32
    %add3A_149 = arith.addi %mul3A_147, %add3A_148 : i32
    %add3A_150 = arith.constant 0 : i32
    %add3A_151 = arith.addi %mul3A_32, %add3A_150 : i32
    %dma_start3A_152 = arith.constant 2560 : i32
    %dma_start3A_153 = tpu.memref_slice %arg7[%dma_start3A_152] : memref<4096xf32, #tpu.memory_space<vmem>> -> memref<512xf32, #tpu.memory_space<vmem>>
    %dma_start3A_154 = tpu.memref_slice %arg4[%add3A_149, %add3A_151] : memref<32x8192xf32, #tpu.memory_space<hbm>> -> memref<1x512xf32, #tpu.memory_space<hbm>>
    %dma_start3A_155 = tpu.memref_squeeze %dma_start3A_154 : memref<1x512xf32, #tpu.memory_space<hbm>> -> memref<512xf32, #tpu.memory_space<hbm>>
    %dma_start3A_156 = tpu.memref_slice %arg4[%add3A_149, %add3A_151] : memref<32x8192xf32, #tpu.memory_space<hbm>> -> memref<1x512xf32, #tpu.memory_space<hbm>>
    %dma_start3A_157 = tpu.memref_squeeze %dma_start3A_156 : memref<1x512xf32, #tpu.memory_space<hbm>> -> memref<512xf32, #tpu.memory_space<hbm>>
    %dma_start3A_158 = arith.constant 2560 : i32
    %dma_start3A_159 = tpu.memref_slice %arg7[%dma_start3A_158] : memref<4096xf32, #tpu.memory_space<vmem>> -> memref<512xf32, #tpu.memory_space<vmem>>
    tpu.enqueue_dma source(%dma_start3A_159 : memref<512xf32, #tpu.memory_space<vmem>>) target(%dma_start3A_157 : memref<512xf32, #tpu.memory_space<hbm>>) target_semaphore(%arg9 : memref<!tpu.dma_semaphore, #tpu.memory_space<semaphore_mem>>)
    %mul3A_160 = arith.constant 8 : i32
    %mul3A_161 = arith.muli %select_n3A, %mul3A_160 : i32
    %add3A_162 = arith.constant 6 : i32
    %add3A_163 = arith.addi %mul3A_161, %add3A_162 : i32
    %add3A_164 = arith.constant 0 : i32
    %add3A_165 = arith.addi %mul3A_32, %add3A_164 : i32
    %dma_start3A_166 = arith.constant 3072 : i32
    %dma_start3A_167 = tpu.memref_slice %arg7[%dma_start3A_166] : memref<4096xf32, #tpu.memory_space<vmem>> -> memref<512xf32, #tpu.memory_space<vmem>>
    %dma_start3A_168 = tpu.memref_slice %arg4[%add3A_163, %add3A_165] : memref<32x8192xf32, #tpu.memory_space<hbm>> -> memref<1x512xf32, #tpu.memory_space<hbm>>
    %dma_start3A_169 = tpu.memref_squeeze %dma_start3A_168 : memref<1x512xf32, #tpu.memory_space<hbm>> -> memref<512xf32, #tpu.memory_space<hbm>>
    %dma_start3A_170 = tpu.memref_slice %arg4[%add3A_163, %add3A_165] : memref<32x8192xf32, #tpu.memory_space<hbm>> -> memref<1x512xf32, #tpu.memory_space<hbm>>
    %dma_start3A_171 = tpu.memref_squeeze %dma_start3A_170 : memref<1x512xf32, #tpu.memory_space<hbm>> -> memref<512xf32, #tpu.memory_space<hbm>>
    %dma_start3A_172 = arith.constant 3072 : i32
    %dma_start3A_173 = tpu.memref_slice %arg7[%dma_start3A_172] : memref<4096xf32, #tpu.memory_space<vmem>> -> memref<512xf32, #tpu.memory_space<vmem>>
    tpu.enqueue_dma source(%dma_start3A_173 : memref<512xf32, #tpu.memory_space<vmem>>) target(%dma_start3A_171 : memref<512xf32, #tpu.memory_space<hbm>>) target_semaphore(%arg9 : memref<!tpu.dma_semaphore, #tpu.memory_space<semaphore_mem>>)
    %mul3A_174 = arith.constant 8 : i32
    %mul3A_175 = arith.muli %select_n3A, %mul3A_174 : i32
    %add3A_176 = arith.constant 7 : i32
    %add3A_177 = arith.addi %mul3A_175, %add3A_176 : i32
    %add3A_178 = arith.constant 0 : i32
    %add3A_179 = arith.addi %mul3A_32, %add3A_178 : i32
    %dma_start3A_180 = arith.constant 3584 : i32
    %dma_start3A_181 = tpu.memref_slice %arg7[%dma_start3A_180] : memref<4096xf32, #tpu.memory_space<vmem>> -> memref<512xf32, #tpu.memory_space<vmem>>
    %dma_start3A_182 = tpu.memref_slice %arg4[%add3A_177, %add3A_179] : memref<32x8192xf32, #tpu.memory_space<hbm>> -> memref<1x512xf32, #tpu.memory_space<hbm>>
    %dma_start3A_183 = tpu.memref_squeeze %dma_start3A_182 : memref<1x512xf32, #tpu.memory_space<hbm>> -> memref<512xf32, #tpu.memory_space<hbm>>
    %dma_start3A_184 = tpu.memref_slice %arg4[%add3A_177, %add3A_179] : memref<32x8192xf32, #tpu.memory_space<hbm>> -> memref<1x512xf32, #tpu.memory_space<hbm>>
    %dma_start3A_185 = tpu.memref_squeeze %dma_start3A_184 : memref<1x512xf32, #tpu.memory_space<hbm>> -> memref<512xf32, #tpu.memory_space<hbm>>
    %dma_start3A_186 = arith.constant 3584 : i32
    %dma_start3A_187 = tpu.memref_slice %arg7[%dma_start3A_186] : memref<4096xf32, #tpu.memory_space<vmem>> -> memref<512xf32, #tpu.memory_space<vmem>>
    tpu.enqueue_dma source(%dma_start3A_187 : memref<512xf32, #tpu.memory_space<vmem>>) target(%dma_start3A_185 : memref<512xf32, #tpu.memory_space<hbm>>) target_semaphore(%arg9 : memref<!tpu.dma_semaphore, #tpu.memory_space<semaphore_mem>>)
    %scan3A_188 = arith.constant 0 : i32
    %scan3A_189 = arith.constant 0 : i32
    %scan3A_190 = arith.constant 16 : i32
    %scan3A_191 = arith.addi %scan3A_189, %scan3A_190 : i32
    %scan3A_192 = arith.constant 1 : i32
    scf.for %scan3A_433 = %scan3A_189 to %scan3A_191 step %scan3A_192  : i32 {
      %mul3A_434 = arith.constant 2 : i32
      %mul3A_435 = arith.muli %mul3A_434, %scan3A_433 : i32
      %add3A_436 = arith.constant 0 : i32
      %add3A_437 = arith.addi %mul3A_435, %add3A_436 : i32
      %mul3A_438 = arith.constant 16 : i32
      %mul3A_439 = arith.muli %add3A_437, %mul3A_438 : i32
      %add3A_440 = arith.constant 512 : i32
      %add3A_441 = arith.addi %add3A_440, %mul3A_439 : i32
      %get3A_442 = arith.index_cast %add3A_441 : i32 to index
      %get3A_443 = tpu.vector_load %arg6[%get3A_442] {strides = array<i32>} : memref<1024xi32, #tpu.memory_space<vmem>>, vector<16xi32>,
      %get3A_444 = vector.shape_cast %get3A_443 : vector<16xi32> to vector<16xi32>
      %broadcast_in_dim3A = vector.shape_cast %get3A_444 : vector<16xi32> to vector<16x1xi32>
      %gather3A = vector.shape_cast %broadcast_in_dim3A : vector<16x1xi32> to vector<16xi32>
      %gather3A_445 = tpu.dynamic_gather %get3A_36[%gather3A] in [0] : vector<16xf32>, vector<16xi32> -> vector<16xf32>
      %mul3A_446 = arith.constant 16 : i32
      %mul3A_447 = arith.muli %add3A_437, %mul3A_446 : i32
      %add3A_448 = arith.constant 0 : i32
      %add3A_449 = arith.addi %add3A_448, %mul3A_447 : i32
      %swap3A = arith.index_cast %add3A_449 : i32 to index
      %swap3A_450 = tpu.vector_load %arg8[%swap3A] {strides = array<i32>} : memref<4096xf32, #tpu.memory_space<vmem>>, vector<16xf32>,
      %swap3A_451 = vector.shape_cast %swap3A_450 : vector<16xf32> to vector<16xf32>
      %swap3A_452 = vector.shape_cast %gather3A_445 : vector<16xf32> to vector<16xf32>
      tpu.vector_store %arg8[%swap3A], %swap3A_452 {strides = array<i32>} : memref<4096xf32, #tpu.memory_space<vmem>>, vector<16xf32>,
      %broadcast_in_dim3A_453 = vector.shape_cast %get3A_444 : vector<16xi32> to vector<16x1xi32>
      %gather3A_454 = vector.shape_cast %broadcast_in_dim3A_453 : vector<16x1xi32> to vector<16xi32>
      %gather3A_455 = tpu.dynamic_gather %get3A_41[%gather3A_454] in [0] : vector<16xf32>, vector<16xi32> -> vector<16xf32>
      %mul3A_456 = arith.constant 16 : i32
      %mul3A_457 = arith.muli %add3A_437, %mul3A_456 : i32
      %add3A_458 = arith.constant 512 : i32
      %add3A_459 = arith.addi %add3A_458, %mul3A_457 : i32
      %swap3A_460 = arith.index_cast %add3A_459 : i32 to index
      %swap3A_461 = tpu.vector_load %arg8[%swap3A_460] {strides = array<i32>} : memref<4096xf32, #tpu.memory_space<vmem>>, vector<16xf32>,
      %swap3A_462 = vector.shape_cast %swap3A_461 : vector<16xf32> to vector<16xf32>
      %swap3A_463 = vector.shape_cast %gather3A_455 : vector<16xf32> to vector<16xf32>
      tpu.vector_store %arg8[%swap3A_460], %swap3A_463 {strides = array<i32>} : memref<4096xf32, #tpu.memory_space<vmem>>, vector<16xf32>,
      %broadcast_in_dim3A_464 = vector.shape_cast %get3A_444 : vector<16xi32> to vector<16x1xi32>
      %gather3A_465 = vector.shape_cast %broadcast_in_dim3A_464 : vector<16x1xi32> to vector<16xi32>
      %gather3A_466 = tpu.dynamic_gather %get3A_46[%gather3A_465] in [0] : vector<16xf32>, vector<16xi32> -> vector<16xf32>
      %mul3A_467 = arith.constant 16 : i32
      %mul3A_468 = arith.muli %add3A_437, %mul3A_467 : i32
      %add3A_469 = arith.constant 1024 : i32
      %add3A_470 = arith.addi %add3A_469, %mul3A_468 : i32
      %swap3A_471 = arith.index_cast %add3A_470 : i32 to index
      %swap3A_472 = tpu.vector_load %arg8[%swap3A_471] {strides = array<i32>} : memref<4096xf32, #tpu.memory_space<vmem>>, vector<16xf32>,
      %swap3A_473 = vector.shape_cast %swap3A_472 : vector<16xf32> to vector<16xf32>
      %swap3A_474 = vector.shape_cast %gather3A_466 : vector<16xf32> to vector<16xf32>
      tpu.vector_store %arg8[%swap3A_471], %swap3A_474 {strides = array<i32>} : memref<4096xf32, #tpu.memory_space<vmem>>, vector<16xf32>,
      %broadcast_in_dim3A_475 = vector.shape_cast %get3A_444 : vector<16xi32> to vector<16x1xi32>
      %gather3A_476 = vector.shape_cast %broadcast_in_dim3A_475 : vector<16x1xi32> to vector<16xi32>
      %gather3A_477 = tpu.dynamic_gather %get3A_51[%gather3A_476] in [0] : vector<16xf32>, vector<16xi32> -> vector<16xf32>
      %mul3A_478 = arith.constant 16 : i32
      %mul3A_479 = arith.muli %add3A_437, %mul3A_478 : i32
      %add3A_480 = arith.constant 1536 : i32
      %add3A_481 = arith.addi %add3A_480, %mul3A_479 : i32
      %swap3A_482 = arith.index_cast %add3A_481 : i32 to index
      %swap3A_483 = tpu.vector_load %arg8[%swap3A_482] {strides = array<i32>} : memref<4096xf32, #tpu.memory_space<vmem>>, vector<16xf32>,
      %swap3A_484 = vector.shape_cast %swap3A_483 : vector<16xf32> to vector<16xf32>
      %swap3A_485 = vector.shape_cast %gather3A_477 : vector<16xf32> to vector<16xf32>
      tpu.vector_store %arg8[%swap3A_482], %swap3A_485 {strides = array<i32>} : memref<4096xf32, #tpu.memory_space<vmem>>, vector<16xf32>,
      %broadcast_in_dim3A_486 = vector.shape_cast %get3A_444 : vector<16xi32> to vector<16x1xi32>
      %gather3A_487 = vector.shape_cast %broadcast_in_dim3A_486 : vector<16x1xi32> to vector<16xi32>
      %gather3A_488 = tpu.dynamic_gather %get3A_56[%gather3A_487] in [0] : vector<16xf32>, vector<16xi32> -> vector<16xf32>
      %mul3A_489 = arith.constant 16 : i32
      %mul3A_490 = arith.muli %add3A_437, %mul3A_489 : i32
      %add3A_491 = arith.constant 2048 : i32
      %add3A_492 = arith.addi %add3A_491, %mul3A_490 : i32
      %swap3A_493 = arith.index_cast %add3A_492 : i32 to index
      %swap3A_494 = tpu.vector_load %arg8[%swap3A_493] {strides = array<i32>} : memref<4096xf32, #tpu.memory_space<vmem>>, vector<16xf32>,
      %swap3A_495 = vector.shape_cast %swap3A_494 : vector<16xf32> to vector<16xf32>
      %swap3A_496 = vector.shape_cast %gather3A_488 : vector<16xf32> to vector<16xf32>
      tpu.vector_store %arg8[%swap3A_493], %swap3A_496 {strides = array<i32>} : memref<4096xf32, #tpu.memory_space<vmem>>, vector<16xf32>,
      %broadcast_in_dim3A_497 = vector.shape_cast %get3A_444 : vector<16xi32> to vector<16x1xi32>
      %gather3A_498 = vector.shape_cast %broadcast_in_dim3A_497 : vector<16x1xi32> to vector<16xi32>
      %gather3A_499 = tpu.dynamic_gather %get3A_61[%gather3A_498] in [0] : vector<16xf32>, vector<16xi32> -> vector<16xf32>
      %mul3A_500 = arith.constant 16 : i32
      %mul3A_501 = arith.muli %add3A_437, %mul3A_500 : i32
      %add3A_502 = arith.constant 2560 : i32
      %add3A_503 = arith.addi %add3A_502, %mul3A_501 : i32
      %swap3A_504 = arith.index_cast %add3A_503 : i32 to index
      %swap3A_505 = tpu.vector_load %arg8[%swap3A_504] {strides = array<i32>} : memref<4096xf32, #tpu.memory_space<vmem>>, vector<16xf32>,
      %swap3A_506 = vector.shape_cast %swap3A_505 : vector<16xf32> to vector<16xf32>
      %swap3A_507 = vector.shape_cast %gather3A_499 : vector<16xf32> to vector<16xf32>
      tpu.vector_store %arg8[%swap3A_504], %swap3A_507 {strides = array<i32>} : memref<4096xf32, #tpu.memory_space<vmem>>, vector<16xf32>,
      %broadcast_in_dim3A_508 = vector.shape_cast %get3A_444 : vector<16xi32> to vector<16x1xi32>
      %gather3A_509 = vector.shape_cast %broadcast_in_dim3A_508 : vector<16x1xi32> to vector<16xi32>
      %gather3A_510 = tpu.dynamic_gather %get3A_66[%gather3A_509] in [0] : vector<16xf32>, vector<16xi32> -> vector<16xf32>
      %mul3A_511 = arith.constant 16 : i32
      %mul3A_512 = arith.muli %add3A_437, %mul3A_511 : i32
      %add3A_513 = arith.constant 3072 : i32
      %add3A_514 = arith.addi %add3A_513, %mul3A_512 : i32
      %swap3A_515 = arith.index_cast %add3A_514 : i32 to index
      %swap3A_516 = tpu.vector_load %arg8[%swap3A_515] {strides = array<i32>} : memref<4096xf32, #tpu.memory_space<vmem>>, vector<16xf32>,
      %swap3A_517 = vector.shape_cast %swap3A_516 : vector<16xf32> to vector<16xf32>
      %swap3A_518 = vector.shape_cast %gather3A_510 : vector<16xf32> to vector<16xf32>
      tpu.vector_store %arg8[%swap3A_515], %swap3A_518 {strides = array<i32>} : memref<4096xf32, #tpu.memory_space<vmem>>, vector<16xf32>,
      %broadcast_in_dim3A_519 = vector.shape_cast %get3A_444 : vector<16xi32> to vector<16x1xi32>
      %gather3A_520 = vector.shape_cast %broadcast_in_dim3A_519 : vector<16x1xi32> to vector<16xi32>
      %gather3A_521 = tpu.dynamic_gather %get3A_71[%gather3A_520] in [0] : vector<16xf32>, vector<16xi32> -> vector<16xf32>
      %mul3A_522 = arith.constant 16 : i32
      %mul3A_523 = arith.muli %add3A_437, %mul3A_522 : i32
      %add3A_524 = arith.constant 3584 : i32
      %add3A_525 = arith.addi %add3A_524, %mul3A_523 : i32
      %swap3A_526 = arith.index_cast %add3A_525 : i32 to index
      %swap3A_527 = tpu.vector_load %arg8[%swap3A_526] {strides = array<i32>} : memref<4096xf32, #tpu.memory_space<vmem>>, vector<16xf32>,
      %swap3A_528 = vector.shape_cast %swap3A_527 : vector<16xf32> to vector<16xf32>
      %swap3A_529 = vector.shape_cast %gather3A_521 : vector<16xf32> to vector<16xf32>
      tpu.vector_store %arg8[%swap3A_526], %swap3A_529 {strides = array<i32>} : memref<4096xf32, #tpu.memory_space<vmem>>, vector<16xf32>,
      %mul3A_530 = arith.constant 2 : i32
      %mul3A_531 = arith.muli %mul3A_530, %scan3A_433 : i32
      %add3A_532 = arith.constant 1 : i32
      %add3A_533 = arith.addi %mul3A_531, %add3A_532 : i32
      %mul3A_534 = arith.constant 16 : i32
      %mul3A_535 = arith.muli %add3A_533, %mul3A_534 : i32
      %add3A_536 = arith.constant 512 : i32
      %add3A_537 = arith.addi %add3A_536, %mul3A_535 : i32
      %get3A_538 = arith.index_cast %add3A_537 : i32 to index
      %get3A_539 = tpu.vector_load %arg6[%get3A_538] {strides = array<i32>} : memref<1024xi32, #tpu.memory_space<vmem>>, vector<16xi32>,
      %get3A_540 = vector.shape_cast %get3A_539 : vector<16xi32> to vector<16xi32>
      %broadcast_in_dim3A_541 = vector.shape_cast %get3A_540 : vector<16xi32> to vector<16x1xi32>
      %gather3A_542 = vector.shape_cast %broadcast_in_dim3A_541 : vector<16x1xi32> to vector<16xi32>
      %gather3A_543 = tpu.dynamic_gather %get3A_36[%gather3A_542] in [0] : vector<16xf32>, vector<16xi32> -> vector<16xf32>
      %mul3A_544 = arith.constant 16 : i32
      %mul3A_545 = arith.muli %add3A_533, %mul3A_544 : i32
      %add3A_546 = arith.constant 0 : i32
      %add3A_547 = arith.addi %add3A_546, %mul3A_545 : i32
      %swap3A_548 = arith.index_cast %add3A_547 : i32 to index
      %swap3A_549 = tpu.vector_load %arg8[%swap3A_548] {strides = array<i32>} : memref<4096xf32, #tpu.memory_space<vmem>>, vector<16xf32>,
      %swap3A_550 = vector.shape_cast %swap3A_549 : vector<16xf32> to vector<16xf32>
      %swap3A_551 = vector.shape_cast %gather3A_543 : vector<16xf32> to vector<16xf32>
      tpu.vector_store %arg8[%swap3A_548], %swap3A_551 {strides = array<i32>} : memref<4096xf32, #tpu.memory_space<vmem>>, vector<16xf32>,
      %broadcast_in_dim3A_552 = vector.shape_cast %get3A_540 : vector<16xi32> to vector<16x1xi32>
      %gather3A_553 = vector.shape_cast %broadcast_in_dim3A_552 : vector<16x1xi32> to vector<16xi32>
      %gather3A_554 = tpu.dynamic_gather %get3A_41[%gather3A_553] in [0] : vector<16xf32>, vector<16xi32> -> vector<16xf32>
      %mul3A_555 = arith.constant 16 : i32
      %mul3A_556 = arith.muli %add3A_533, %mul3A_555 : i32
      %add3A_557 = arith.constant 512 : i32
      %add3A_558 = arith.addi %add3A_557, %mul3A_556 : i32
      %swap3A_559 = arith.index_cast %add3A_558 : i32 to index
      %swap3A_560 = tpu.vector_load %arg8[%swap3A_559] {strides = array<i32>} : memref<4096xf32, #tpu.memory_space<vmem>>, vector<16xf32>,
      %swap3A_561 = vector.shape_cast %swap3A_560 : vector<16xf32> to vector<16xf32>
      %swap3A_562 = vector.shape_cast %gather3A_554 : vector<16xf32> to vector<16xf32>
      tpu.vector_store %arg8[%swap3A_559], %swap3A_562 {strides = array<i32>} : memref<4096xf32, #tpu.memory_space<vmem>>, vector<16xf32>,
      %broadcast_in_dim3A_563 = vector.shape_cast %get3A_540 : vector<16xi32> to vector<16x1xi32>
      %gather3A_564 = vector.shape_cast %broadcast_in_dim3A_563 : vector<16x1xi32> to vector<16xi32>
      %gather3A_565 = tpu.dynamic_gather %get3A_46[%gather3A_564] in [0] : vector<16xf32>, vector<16xi32> -> vector<16xf32>
      %mul3A_566 = arith.constant 16 : i32
      %mul3A_567 = arith.muli %add3A_533, %mul3A_566 : i32
      %add3A_568 = arith.constant 1024 : i32
      %add3A_569 = arith.addi %add3A_568, %mul3A_567 : i32
      %swap3A_570 = arith.index_cast %add3A_569 : i32 to index
      %swap3A_571 = tpu.vector_load %arg8[%swap3A_570] {strides = array<i32>} : memref<4096xf32, #tpu.memory_space<vmem>>, vector<16xf32>,
      %swap3A_572 = vector.shape_cast %swap3A_571 : vector<16xf32> to vector<16xf32>
      %swap3A_573 = vector.shape_cast %gather3A_565 : vector<16xf32> to vector<16xf32>
      tpu.vector_store %arg8[%swap3A_570], %swap3A_573 {strides = array<i32>} : memref<4096xf32, #tpu.memory_space<vmem>>, vector<16xf32>,
      %broadcast_in_dim3A_574 = vector.shape_cast %get3A_540 : vector<16xi32> to vector<16x1xi32>
      %gather3A_575 = vector.shape_cast %broadcast_in_dim3A_574 : vector<16x1xi32> to vector<16xi32>
      %gather3A_576 = tpu.dynamic_gather %get3A_51[%gather3A_575] in [0] : vector<16xf32>, vector<16xi32> -> vector<16xf32>
      %mul3A_577 = arith.constant 16 : i32
      %mul3A_578 = arith.muli %add3A_533, %mul3A_577 : i32
      %add3A_579 = arith.constant 1536 : i32
      %add3A_580 = arith.addi %add3A_579, %mul3A_578 : i32
      %swap3A_581 = arith.index_cast %add3A_580 : i32 to index
      %swap3A_582 = tpu.vector_load %arg8[%swap3A_581] {strides = array<i32>} : memref<4096xf32, #tpu.memory_space<vmem>>, vector<16xf32>,
      %swap3A_583 = vector.shape_cast %swap3A_582 : vector<16xf32> to vector<16xf32>
      %swap3A_584 = vector.shape_cast %gather3A_576 : vector<16xf32> to vector<16xf32>
      tpu.vector_store %arg8[%swap3A_581], %swap3A_584 {strides = array<i32>} : memref<4096xf32, #tpu.memory_space<vmem>>, vector<16xf32>,
      %broadcast_in_dim3A_585 = vector.shape_cast %get3A_540 : vector<16xi32> to vector<16x1xi32>
      %gather3A_586 = vector.shape_cast %broadcast_in_dim3A_585 : vector<16x1xi32> to vector<16xi32>
      %gather3A_587 = tpu.dynamic_gather %get3A_56[%gather3A_586] in [0] : vector<16xf32>, vector<16xi32> -> vector<16xf32>
      %mul3A_588 = arith.constant 16 : i32
      %mul3A_589 = arith.muli %add3A_533, %mul3A_588 : i32
      %add3A_590 = arith.constant 2048 : i32
      %add3A_591 = arith.addi %add3A_590, %mul3A_589 : i32
      %swap3A_592 = arith.index_cast %add3A_591 : i32 to index
      %swap3A_593 = tpu.vector_load %arg8[%swap3A_592] {strides = array<i32>} : memref<4096xf32, #tpu.memory_space<vmem>>, vector<16xf32>,
      %swap3A_594 = vector.shape_cast %swap3A_593 : vector<16xf32> to vector<16xf32>
      %swap3A_595 = vector.shape_cast %gather3A_587 : vector<16xf32> to vector<16xf32>
      tpu.vector_store %arg8[%swap3A_592], %swap3A_595 {strides = array<i32>} : memref<4096xf32, #tpu.memory_space<vmem>>, vector<16xf32>,
      %broadcast_in_dim3A_596 = vector.shape_cast %get3A_540 : vector<16xi32> to vector<16x1xi32>
      %gather3A_597 = vector.shape_cast %broadcast_in_dim3A_596 : vector<16x1xi32> to vector<16xi32>
      %gather3A_598 = tpu.dynamic_gather %get3A_61[%gather3A_597] in [0] : vector<16xf32>, vector<16xi32> -> vector<16xf32>
      %mul3A_599 = arith.constant 16 : i32
      %mul3A_600 = arith.muli %add3A_533, %mul3A_599 : i32
      %add3A_601 = arith.constant 2560 : i32
      %add3A_602 = arith.addi %add3A_601, %mul3A_600 : i32
      %swap3A_603 = arith.index_cast %add3A_602 : i32 to index
      %swap3A_604 = tpu.vector_load %arg8[%swap3A_603] {strides = array<i32>} : memref<4096xf32, #tpu.memory_space<vmem>>, vector<16xf32>,
      %swap3A_605 = vector.shape_cast %swap3A_604 : vector<16xf32> to vector<16xf32>
      %swap3A_606 = vector.shape_cast %gather3A_598 : vector<16xf32> to vector<16xf32>
      tpu.vector_store %arg8[%swap3A_603], %swap3A_606 {strides = array<i32>} : memref<4096xf32, #tpu.memory_space<vmem>>, vector<16xf32>,
      %broadcast_in_dim3A_607 = vector.shape_cast %get3A_540 : vector<16xi32> to vector<16x1xi32>
      %gather3A_608 = vector.shape_cast %broadcast_in_dim3A_607 : vector<16x1xi32> to vector<16xi32>
      %gather3A_609 = tpu.dynamic_gather %get3A_66[%gather3A_608] in [0] : vector<16xf32>, vector<16xi32> -> vector<16xf32>
      %mul3A_610 = arith.constant 16 : i32
      %mul3A_611 = arith.muli %add3A_533, %mul3A_610 : i32
      %add3A_612 = arith.constant 3072 : i32
      %add3A_613 = arith.addi %add3A_612, %mul3A_611 : i32
      %swap3A_614 = arith.index_cast %add3A_613 : i32 to index
      %swap3A_615 = tpu.vector_load %arg8[%swap3A_614] {strides = array<i32>} : memref<4096xf32, #tpu.memory_space<vmem>>, vector<16xf32>,
      %swap3A_616 = vector.shape_cast %swap3A_615 : vector<16xf32> to vector<16xf32>
      %swap3A_617 = vector.shape_cast %gather3A_609 : vector<16xf32> to vector<16xf32>
      tpu.vector_store %arg8[%swap3A_614], %swap3A_617 {strides = array<i32>} : memref<4096xf32, #tpu.memory_space<vmem>>, vector<16xf32>,
      %broadcast_in_dim3A_618 = vector.shape_cast %get3A_540 : vector<16xi32> to vector<16x1xi32>
      %gather3A_619 = vector.shape_cast %broadcast_in_dim3A_618 : vector<16x1xi32> to vector<16xi32>
      %gather3A_620 = tpu.dynamic_gather %get3A_71[%gather3A_619] in [0] : vector<16xf32>, vector<16xi32> -> vector<16xf32>
      %mul3A_621 = arith.constant 16 : i32
      %mul3A_622 = arith.muli %add3A_533, %mul3A_621 : i32
      %add3A_623 = arith.constant 3584 : i32
      %add3A_624 = arith.addi %add3A_623, %mul3A_622 : i32
      %swap3A_625 = arith.index_cast %add3A_624 : i32 to index
      %swap3A_626 = tpu.vector_load %arg8[%swap3A_625] {strides = array<i32>} : memref<4096xf32, #tpu.memory_space<vmem>>, vector<16xf32>,
      %swap3A_627 = vector.shape_cast %swap3A_626 : vector<16xf32> to vector<16xf32>
      %swap3A_628 = vector.shape_cast %gather3A_620 : vector<16xf32> to vector<16xf32>
      tpu.vector_store %arg8[%swap3A_625], %swap3A_628 {strides = array<i32>} : memref<4096xf32, #tpu.memory_space<vmem>>, vector<16xf32>,
    }
    %scan3A_193 = arith.constant 16 : i32
    %mul3A_194 = arith.constant 8 : i32
    %mul3A_195 = arith.muli %select_n3A, %mul3A_194 : i32
    %add3A_196 = arith.constant 0 : i32
    %add3A_197 = arith.addi %mul3A_195, %add3A_196 : i32
    %add3A_198 = arith.constant 512 : i32
    %add3A_199 = arith.addi %mul3A_32, %add3A_198 : i32
    %dma_start3A_200 = arith.constant 0 : i32
    %dma_start3A_201 = tpu.memref_slice %arg8[%dma_start3A_200] : memref<4096xf32, #tpu.memory_space<vmem>> -> memref<512xf32, #tpu.memory_space<vmem>>
    %dma_start3A_202 = tpu.memref_slice %arg4[%add3A_197, %add3A_199] : memref<32x8192xf32, #tpu.memory_space<hbm>> -> memref<1x512xf32, #tpu.memory_space<hbm>>
    %dma_start3A_203 = tpu.memref_squeeze %dma_start3A_202 : memref<1x512xf32, #tpu.memory_space<hbm>> -> memref<512xf32, #tpu.memory_space<hbm>>
    %dma_start3A_204 = tpu.memref_slice %arg4[%add3A_197, %add3A_199] : memref<32x8192xf32, #tpu.memory_space<hbm>> -> memref<1x512xf32, #tpu.memory_space<hbm>>
    %dma_start3A_205 = tpu.memref_squeeze %dma_start3A_204 : memref<1x512xf32, #tpu.memory_space<hbm>> -> memref<512xf32, #tpu.memory_space<hbm>>
    %dma_start3A_206 = arith.constant 0 : i32
    %dma_start3A_207 = tpu.memref_slice %arg8[%dma_start3A_206] : memref<4096xf32, #tpu.memory_space<vmem>> -> memref<512xf32, #tpu.memory_space<vmem>>
    tpu.enqueue_dma source(%dma_start3A_207 : memref<512xf32, #tpu.memory_space<vmem>>) target(%dma_start3A_205 : memref<512xf32, #tpu.memory_space<hbm>>) target_semaphore(%arg10 : memref<!tpu.dma_semaphore, #tpu.memory_space<semaphore_mem>>)
    %mul3A_208 = arith.constant 8 : i32
    %mul3A_209 = arith.muli %select_n3A, %mul3A_208 : i32
    %add3A_210 = arith.constant 1 : i32
    %add3A_211 = arith.addi %mul3A_209, %add3A_210 : i32
    %add3A_212 = arith.constant 512 : i32
    %add3A_213 = arith.addi %mul3A_32, %add3A_212 : i32
    %dma_start3A_214 = arith.constant 512 : i32
    %dma_start3A_215 = tpu.memref_slice %arg8[%dma_start3A_214] : memref<4096xf32, #tpu.memory_space<vmem>> -> memref<512xf32, #tpu.memory_space<vmem>>
    %dma_start3A_216 = tpu.memref_slice %arg4[%add3A_211, %add3A_213] : memref<32x8192xf32, #tpu.memory_space<hbm>> -> memref<1x512xf32, #tpu.memory_space<hbm>>
    %dma_start3A_217 = tpu.memref_squeeze %dma_start3A_216 : memref<1x512xf32, #tpu.memory_space<hbm>> -> memref<512xf32, #tpu.memory_space<hbm>>
    %dma_start3A_218 = tpu.memref_slice %arg4[%add3A_211, %add3A_213] : memref<32x8192xf32, #tpu.memory_space<hbm>> -> memref<1x512xf32, #tpu.memory_space<hbm>>
    %dma_start3A_219 = tpu.memref_squeeze %dma_start3A_218 : memref<1x512xf32, #tpu.memory_space<hbm>> -> memref<512xf32, #tpu.memory_space<hbm>>
    %dma_start3A_220 = arith.constant 512 : i32
    %dma_start3A_221 = tpu.memref_slice %arg8[%dma_start3A_220] : memref<4096xf32, #tpu.memory_space<vmem>> -> memref<512xf32, #tpu.memory_space<vmem>>
    tpu.enqueue_dma source(%dma_start3A_221 : memref<512xf32, #tpu.memory_space<vmem>>) target(%dma_start3A_219 : memref<512xf32, #tpu.memory_space<hbm>>) target_semaphore(%arg10 : memref<!tpu.dma_semaphore, #tpu.memory_space<semaphore_mem>>)
    %mul3A_222 = arith.constant 8 : i32
    %mul3A_223 = arith.muli %select_n3A, %mul3A_222 : i32
    %add3A_224 = arith.constant 2 : i32
    %add3A_225 = arith.addi %mul3A_223, %add3A_224 : i32
    %add3A_226 = arith.constant 512 : i32
    %add3A_227 = arith.addi %mul3A_32, %add3A_226 : i32
    %dma_start3A_228 = arith.constant 1024 : i32
    %dma_start3A_229 = tpu.memref_slice %arg8[%dma_start3A_228] : memref<4096xf32, #tpu.memory_space<vmem>> -> memref<512xf32, #tpu.memory_space<vmem>>
    %dma_start3A_230 = tpu.memref_slice %arg4[%add3A_225, %add3A_227] : memref<32x8192xf32, #tpu.memory_space<hbm>> -> memref<1x512xf32, #tpu.memory_space<hbm>>
    %dma_start3A_231 = tpu.memref_squeeze %dma_start3A_230 : memref<1x512xf32, #tpu.memory_space<hbm>> -> memref<512xf32, #tpu.memory_space<hbm>>
    %dma_start3A_232 = tpu.memref_slice %arg4[%add3A_225, %add3A_227] : memref<32x8192xf32, #tpu.memory_space<hbm>> -> memref<1x512xf32, #tpu.memory_space<hbm>>
    %dma_start3A_233 = tpu.memref_squeeze %dma_start3A_232 : memref<1x512xf32, #tpu.memory_space<hbm>> -> memref<512xf32, #tpu.memory_space<hbm>>
    %dma_start3A_234 = arith.constant 1024 : i32
    %dma_start3A_235 = tpu.memref_slice %arg8[%dma_start3A_234] : memref<4096xf32, #tpu.memory_space<vmem>> -> memref<512xf32, #tpu.memory_space<vmem>>
    tpu.enqueue_dma source(%dma_start3A_235 : memref<512xf32, #tpu.memory_space<vmem>>) target(%dma_start3A_233 : memref<512xf32, #tpu.memory_space<hbm>>) target_semaphore(%arg10 : memref<!tpu.dma_semaphore, #tpu.memory_space<semaphore_mem>>)
    %mul3A_236 = arith.constant 8 : i32
    %mul3A_237 = arith.muli %select_n3A, %mul3A_236 : i32
    %add3A_238 = arith.constant 3 : i32
    %add3A_239 = arith.addi %mul3A_237, %add3A_238 : i32
    %add3A_240 = arith.constant 512 : i32
    %add3A_241 = arith.addi %mul3A_32, %add3A_240 : i32
    %dma_start3A_242 = arith.constant 1536 : i32
    %dma_start3A_243 = tpu.memref_slice %arg8[%dma_start3A_242] : memref<4096xf32, #tpu.memory_space<vmem>> -> memref<512xf32, #tpu.memory_space<vmem>>
    %dma_start3A_244 = tpu.memref_slice %arg4[%add3A_239, %add3A_241] : memref<32x8192xf32, #tpu.memory_space<hbm>> -> memref<1x512xf32, #tpu.memory_space<hbm>>
    %dma_start3A_245 = tpu.memref_squeeze %dma_start3A_244 : memref<1x512xf32, #tpu.memory_space<hbm>> -> memref<512xf32, #tpu.memory_space<hbm>>
    %dma_start3A_246 = tpu.memref_slice %arg4[%add3A_239, %add3A_241] : memref<32x8192xf32, #tpu.memory_space<hbm>> -> memref<1x512xf32, #tpu.memory_space<hbm>>
    %dma_start3A_247 = tpu.memref_squeeze %dma_start3A_246 : memref<1x512xf32, #tpu.memory_space<hbm>> -> memref<512xf32, #tpu.memory_space<hbm>>
    %dma_start3A_248 = arith.constant 1536 : i32
    %dma_start3A_249 = tpu.memref_slice %arg8[%dma_start3A_248] : memref<4096xf32, #tpu.memory_space<vmem>> -> memref<512xf32, #tpu.memory_space<vmem>>
    tpu.enqueue_dma source(%dma_start3A_249 : memref<512xf32, #tpu.memory_space<vmem>>) target(%dma_start3A_247 : memref<512xf32, #tpu.memory_space<hbm>>) target_semaphore(%arg10 : memref<!tpu.dma_semaphore, #tpu.memory_space<semaphore_mem>>)
    %mul3A_250 = arith.constant 8 : i32
    %mul3A_251 = arith.muli %select_n3A, %mul3A_250 : i32
    %add3A_252 = arith.constant 4 : i32
    %add3A_253 = arith.addi %mul3A_251, %add3A_252 : i32
    %add3A_254 = arith.constant 512 : i32
    %add3A_255 = arith.addi %mul3A_32, %add3A_254 : i32
    %dma_start3A_256 = arith.constant 2048 : i32
    %dma_start3A_257 = tpu.memref_slice %arg8[%dma_start3A_256] : memref<4096xf32, #tpu.memory_space<vmem>> -> memref<512xf32, #tpu.memory_space<vmem>>
    %dma_start3A_258 = tpu.memref_slice %arg4[%add3A_253, %add3A_255] : memref<32x8192xf32, #tpu.memory_space<hbm>> -> memref<1x512xf32, #tpu.memory_space<hbm>>
    %dma_start3A_259 = tpu.memref_squeeze %dma_start3A_258 : memref<1x512xf32, #tpu.memory_space<hbm>> -> memref<512xf32, #tpu.memory_space<hbm>>
    %dma_start3A_260 = tpu.memref_slice %arg4[%add3A_253, %add3A_255] : memref<32x8192xf32, #tpu.memory_space<hbm>> -> memref<1x512xf32, #tpu.memory_space<hbm>>
    %dma_start3A_261 = tpu.memref_squeeze %dma_start3A_260 : memref<1x512xf32, #tpu.memory_space<hbm>> -> memref<512xf32, #tpu.memory_space<hbm>>
    %dma_start3A_262 = arith.constant 2048 : i32
    %dma_start3A_263 = tpu.memref_slice %arg8[%dma_start3A_262] : memref<4096xf32, #tpu.memory_space<vmem>> -> memref<512xf32, #tpu.memory_space<vmem>>
    tpu.enqueue_dma source(%dma_start3A_263 : memref<512xf32, #tpu.memory_space<vmem>>) target(%dma_start3A_261 : memref<512xf32, #tpu.memory_space<hbm>>) target_semaphore(%arg10 : memref<!tpu.dma_semaphore, #tpu.memory_space<semaphore_mem>>)
    %mul3A_264 = arith.constant 8 : i32
    %mul3A_265 = arith.muli %select_n3A, %mul3A_264 : i32
    %add3A_266 = arith.constant 5 : i32
    %add3A_267 = arith.addi %mul3A_265, %add3A_266 : i32
    %add3A_268 = arith.constant 512 : i32
    %add3A_269 = arith.addi %mul3A_32, %add3A_268 : i32
    %dma_start3A_270 = arith.constant 2560 : i32
    %dma_start3A_271 = tpu.memref_slice %arg8[%dma_start3A_270] : memref<4096xf32, #tpu.memory_space<vmem>> -> memref<512xf32, #tpu.memory_space<vmem>>
    %dma_start3A_272 = tpu.memref_slice %arg4[%add3A_267, %add3A_269] : memref<32x8192xf32, #tpu.memory_space<hbm>> -> memref<1x512xf32, #tpu.memory_space<hbm>>
    %dma_start3A_273 = tpu.memref_squeeze %dma_start3A_272 : memref<1x512xf32, #tpu.memory_space<hbm>> -> memref<512xf32, #tpu.memory_space<hbm>>
    %dma_start3A_274 = tpu.memref_slice %arg4[%add3A_267, %add3A_269] : memref<32x8192xf32, #tpu.memory_space<hbm>> -> memref<1x512xf32, #tpu.memory_space<hbm>>
    %dma_start3A_275 = tpu.memref_squeeze %dma_start3A_274 : memref<1x512xf32, #tpu.memory_space<hbm>> -> memref<512xf32, #tpu.memory_space<hbm>>
    %dma_start3A_276 = arith.constant 2560 : i32
    %dma_start3A_277 = tpu.memref_slice %arg8[%dma_start3A_276] : memref<4096xf32, #tpu.memory_space<vmem>> -> memref<512xf32, #tpu.memory_space<vmem>>
    tpu.enqueue_dma source(%dma_start3A_277 : memref<512xf32, #tpu.memory_space<vmem>>) target(%dma_start3A_275 : memref<512xf32, #tpu.memory_space<hbm>>) target_semaphore(%arg10 : memref<!tpu.dma_semaphore, #tpu.memory_space<semaphore_mem>>)
    %mul3A_278 = arith.constant 8 : i32
    %mul3A_279 = arith.muli %select_n3A, %mul3A_278 : i32
    %add3A_280 = arith.constant 6 : i32
    %add3A_281 = arith.addi %mul3A_279, %add3A_280 : i32
    %add3A_282 = arith.constant 512 : i32
    %add3A_283 = arith.addi %mul3A_32, %add3A_282 : i32
    %dma_start3A_284 = arith.constant 3072 : i32
    %dma_start3A_285 = tpu.memref_slice %arg8[%dma_start3A_284] : memref<4096xf32, #tpu.memory_space<vmem>> -> memref<512xf32, #tpu.memory_space<vmem>>
    %dma_start3A_286 = tpu.memref_slice %arg4[%add3A_281, %add3A_283] : memref<32x8192xf32, #tpu.memory_space<hbm>> -> memref<1x512xf32, #tpu.memory_space<hbm>>
    %dma_start3A_287 = tpu.memref_squeeze %dma_start3A_286 : memref<1x512xf32, #tpu.memory_space<hbm>> -> memref<512xf32, #tpu.memory_space<hbm>>
    %dma_start3A_288 = tpu.memref_slice %arg4[%add3A_281, %add3A_283] : memref<32x8192xf32, #tpu.memory_space<hbm>> -> memref<1x512xf32, #tpu.memory_space<hbm>>
    %dma_start3A_289 = tpu.memref_squeeze %dma_start3A_288 : memref<1x512xf32, #tpu.memory_space<hbm>> -> memref<512xf32, #tpu.memory_space<hbm>>
    %dma_start3A_290 = arith.constant 3072 : i32
    %dma_start3A_291 = tpu.memref_slice %arg8[%dma_start3A_290] : memref<4096xf32, #tpu.memory_space<vmem>> -> memref<512xf32, #tpu.memory_space<vmem>>
    tpu.enqueue_dma source(%dma_start3A_291 : memref<512xf32, #tpu.memory_space<vmem>>) target(%dma_start3A_289 : memref<512xf32, #tpu.memory_space<hbm>>) target_semaphore(%arg10 : memref<!tpu.dma_semaphore, #tpu.memory_space<semaphore_mem>>)
    %mul3A_292 = arith.constant 8 : i32
    %mul3A_293 = arith.muli %select_n3A, %mul3A_292 : i32
    %add3A_294 = arith.constant 7 : i32
    %add3A_295 = arith.addi %mul3A_293, %add3A_294 : i32
    %add3A_296 = arith.constant 512 : i32
    %add3A_297 = arith.addi %mul3A_32, %add3A_296 : i32
    %dma_start3A_298 = arith.constant 3584 : i32
    %dma_start3A_299 = tpu.memref_slice %arg8[%dma_start3A_298] : memref<4096xf32, #tpu.memory_space<vmem>> -> memref<512xf32, #tpu.memory_space<vmem>>
    %dma_start3A_300 = tpu.memref_slice %arg4[%add3A_295, %add3A_297] : memref<32x8192xf32, #tpu.memory_space<hbm>> -> memref<1x512xf32, #tpu.memory_space<hbm>>
    %dma_start3A_301 = tpu.memref_squeeze %dma_start3A_300 : memref<1x512xf32, #tpu.memory_space<hbm>> -> memref<512xf32, #tpu.memory_space<hbm>>
    %dma_start3A_302 = tpu.memref_slice %arg4[%add3A_295, %add3A_297] : memref<32x8192xf32, #tpu.memory_space<hbm>> -> memref<1x512xf32, #tpu.memory_space<hbm>>
    %dma_start3A_303 = tpu.memref_squeeze %dma_start3A_302 : memref<1x512xf32, #tpu.memory_space<hbm>> -> memref<512xf32, #tpu.memory_space<hbm>>
    %dma_start3A_304 = arith.constant 3584 : i32
    %dma_start3A_305 = tpu.memref_slice %arg8[%dma_start3A_304] : memref<4096xf32, #tpu.memory_space<vmem>> -> memref<512xf32, #tpu.memory_space<vmem>>
    tpu.enqueue_dma source(%dma_start3A_305 : memref<512xf32, #tpu.memory_space<vmem>>) target(%dma_start3A_303 : memref<512xf32, #tpu.memory_space<hbm>>) target_semaphore(%arg10 : memref<!tpu.dma_semaphore, #tpu.memory_space<semaphore_mem>>)
    %dma_wait3A = arith.constant 0 : i32
    %dma_wait3A_306 = tpu.memref_slice %arg7[%dma_wait3A] : memref<4096xf32, #tpu.memory_space<vmem>> -> memref<512xf32, #tpu.memory_space<vmem>>
    %dma_wait3A_307 = tpu.memref_slice %arg4[%add3A_80, %add3A_82] : memref<32x8192xf32, #tpu.memory_space<hbm>> -> memref<1x512xf32, #tpu.memory_space<hbm>>
    %dma_wait3A_308 = tpu.memref_squeeze %dma_wait3A_307 : memref<1x512xf32, #tpu.memory_space<hbm>> -> memref<512xf32, #tpu.memory_space<hbm>>
    %dma_wait3A_309 = tpu.memref_slice %arg4[%add3A_80, %add3A_82] : memref<32x8192xf32, #tpu.memory_space<hbm>> -> memref<1x512xf32, #tpu.memory_space<hbm>>
    %dma_wait3A_310 = tpu.memref_squeeze %dma_wait3A_309 : memref<1x512xf32, #tpu.memory_space<hbm>> -> memref<512xf32, #tpu.memory_space<hbm>>
    %dma_wait3A_311 = arith.constant 0 : i32
    %dma_wait3A_312 = tpu.memref_slice %arg7[%dma_wait3A_311] : memref<4096xf32, #tpu.memory_space<vmem>> -> memref<512xf32, #tpu.memory_space<vmem>>
    tpu.wait_dma2 semaphore(%arg9 : memref<!tpu.dma_semaphore, #tpu.memory_space<semaphore_mem>>) src(%dma_wait3A_312 : memref<512xf32, #tpu.memory_space<vmem>>) dst(%dma_wait3A_310 : memref<512xf32, #tpu.memory_space<hbm>>)
    %dma_wait3A_313 = arith.constant 512 : i32
    %dma_wait3A_314 = tpu.memref_slice %arg7[%dma_wait3A_313] : memref<4096xf32, #tpu.memory_space<vmem>> -> memref<512xf32, #tpu.memory_space<vmem>>
    %dma_wait3A_315 = tpu.memref_slice %arg4[%add3A_93, %add3A_95] : memref<32x8192xf32, #tpu.memory_space<hbm>> -> memref<1x512xf32, #tpu.memory_space<hbm>>
    %dma_wait3A_316 = tpu.memref_squeeze %dma_wait3A_315 : memref<1x512xf32, #tpu.memory_space<hbm>> -> memref<512xf32, #tpu.memory_space<hbm>>
    %dma_wait3A_317 = tpu.memref_slice %arg4[%add3A_93, %add3A_95] : memref<32x8192xf32, #tpu.memory_space<hbm>> -> memref<1x512xf32, #tpu.memory_space<hbm>>
    %dma_wait3A_318 = tpu.memref_squeeze %dma_wait3A_317 : memref<1x512xf32, #tpu.memory_space<hbm>> -> memref<512xf32, #tpu.memory_space<hbm>>
    %dma_wait3A_319 = arith.constant 512 : i32
    %dma_wait3A_320 = tpu.memref_slice %arg7[%dma_wait3A_319] : memref<4096xf32, #tpu.memory_space<vmem>> -> memref<512xf32, #tpu.memory_space<vmem>>
    tpu.wait_dma2 semaphore(%arg9 : memref<!tpu.dma_semaphore, #tpu.memory_space<semaphore_mem>>) src(%dma_wait3A_320 : memref<512xf32, #tpu.memory_space<vmem>>) dst(%dma_wait3A_318 : memref<512xf32, #tpu.memory_space<hbm>>)
    %dma_wait3A_321 = arith.constant 1024 : i32
    %dma_wait3A_322 = tpu.memref_slice %arg7[%dma_wait3A_321] : memref<4096xf32, #tpu.memory_space<vmem>> -> memref<512xf32, #tpu.memory_space<vmem>>
    %dma_wait3A_323 = tpu.memref_slice %arg4[%add3A_107, %add3A_109] : memref<32x8192xf32, #tpu.memory_space<hbm>> -> memref<1x512xf32, #tpu.memory_space<hbm>>
    %dma_wait3A_324 = tpu.memref_squeeze %dma_wait3A_323 : memref<1x512xf32, #tpu.memory_space<hbm>> -> memref<512xf32, #tpu.memory_space<hbm>>
    %dma_wait3A_325 = tpu.memref_slice %arg4[%add3A_107, %add3A_109] : memref<32x8192xf32, #tpu.memory_space<hbm>> -> memref<1x512xf32, #tpu.memory_space<hbm>>
    %dma_wait3A_326 = tpu.memref_squeeze %dma_wait3A_325 : memref<1x512xf32, #tpu.memory_space<hbm>> -> memref<512xf32, #tpu.memory_space<hbm>>
    %dma_wait3A_327 = arith.constant 1024 : i32
    %dma_wait3A_328 = tpu.memref_slice %arg7[%dma_wait3A_327] : memref<4096xf32, #tpu.memory_space<vmem>> -> memref<512xf32, #tpu.memory_space<vmem>>
    tpu.wait_dma2 semaphore(%arg9 : memref<!tpu.dma_semaphore, #tpu.memory_space<semaphore_mem>>) src(%dma_wait3A_328 : memref<512xf32, #tpu.memory_space<vmem>>) dst(%dma_wait3A_326 : memref<512xf32, #tpu.memory_space<hbm>>)
    %dma_wait3A_329 = arith.constant 1536 : i32
    %dma_wait3A_330 = tpu.memref_slice %arg7[%dma_wait3A_329] : memref<4096xf32, #tpu.memory_space<vmem>> -> memref<512xf32, #tpu.memory_space<vmem>>
    %dma_wait3A_331 = tpu.memref_slice %arg4[%add3A_121, %add3A_123] : memref<32x8192xf32, #tpu.memory_space<hbm>> -> memref<1x512xf32, #tpu.memory_space<hbm>>
    %dma_wait3A_332 = tpu.memref_squeeze %dma_wait3A_331 : memref<1x512xf32, #tpu.memory_space<hbm>> -> memref<512xf32, #tpu.memory_space<hbm>>
    %dma_wait3A_333 = tpu.memref_slice %arg4[%add3A_121, %add3A_123] : memref<32x8192xf32, #tpu.memory_space<hbm>> -> memref<1x512xf32, #tpu.memory_space<hbm>>
    %dma_wait3A_334 = tpu.memref_squeeze %dma_wait3A_333 : memref<1x512xf32, #tpu.memory_space<hbm>> -> memref<512xf32, #tpu.memory_space<hbm>>
    %dma_wait3A_335 = arith.constant 1536 : i32
    %dma_wait3A_336 = tpu.memref_slice %arg7[%dma_wait3A_335] : memref<4096xf32, #tpu.memory_space<vmem>> -> memref<512xf32, #tpu.memory_space<vmem>>
    tpu.wait_dma2 semaphore(%arg9 : memref<!tpu.dma_semaphore, #tpu.memory_space<semaphore_mem>>) src(%dma_wait3A_336 : memref<512xf32, #tpu.memory_space<vmem>>) dst(%dma_wait3A_334 : memref<512xf32, #tpu.memory_space<hbm>>)
    %dma_wait3A_337 = arith.constant 2048 : i32
    %dma_wait3A_338 = tpu.memref_slice %arg7[%dma_wait3A_337] : memref<4096xf32, #tpu.memory_space<vmem>> -> memref<512xf32, #tpu.memory_space<vmem>>
    %dma_wait3A_339 = tpu.memref_slice %arg4[%add3A_135, %add3A_137] : memref<32x8192xf32, #tpu.memory_space<hbm>> -> memref<1x512xf32, #tpu.memory_space<hbm>>
    %dma_wait3A_340 = tpu.memref_squeeze %dma_wait3A_339 : memref<1x512xf32, #tpu.memory_space<hbm>> -> memref<512xf32, #tpu.memory_space<hbm>>
    %dma_wait3A_341 = tpu.memref_slice %arg4[%add3A_135, %add3A_137] : memref<32x8192xf32, #tpu.memory_space<hbm>> -> memref<1x512xf32, #tpu.memory_space<hbm>>
    %dma_wait3A_342 = tpu.memref_squeeze %dma_wait3A_341 : memref<1x512xf32, #tpu.memory_space<hbm>> -> memref<512xf32, #tpu.memory_space<hbm>>
    %dma_wait3A_343 = arith.constant 2048 : i32
    %dma_wait3A_344 = tpu.memref_slice %arg7[%dma_wait3A_343] : memref<4096xf32, #tpu.memory_space<vmem>> -> memref<512xf32, #tpu.memory_space<vmem>>
    tpu.wait_dma2 semaphore(%arg9 : memref<!tpu.dma_semaphore, #tpu.memory_space<semaphore_mem>>) src(%dma_wait3A_344 : memref<512xf32, #tpu.memory_space<vmem>>) dst(%dma_wait3A_342 : memref<512xf32, #tpu.memory_space<hbm>>)
    %dma_wait3A_345 = arith.constant 2560 : i32
    %dma_wait3A_346 = tpu.memref_slice %arg7[%dma_wait3A_345] : memref<4096xf32, #tpu.memory_space<vmem>> -> memref<512xf32, #tpu.memory_space<vmem>>
    %dma_wait3A_347 = tpu.memref_slice %arg4[%add3A_149, %add3A_151] : memref<32x8192xf32, #tpu.memory_space<hbm>> -> memref<1x512xf32, #tpu.memory_space<hbm>>
    %dma_wait3A_348 = tpu.memref_squeeze %dma_wait3A_347 : memref<1x512xf32, #tpu.memory_space<hbm>> -> memref<512xf32, #tpu.memory_space<hbm>>
    %dma_wait3A_349 = tpu.memref_slice %arg4[%add3A_149, %add3A_151] : memref<32x8192xf32, #tpu.memory_space<hbm>> -> memref<1x512xf32, #tpu.memory_space<hbm>>
    %dma_wait3A_350 = tpu.memref_squeeze %dma_wait3A_349 : memref<1x512xf32, #tpu.memory_space<hbm>> -> memref<512xf32, #tpu.memory_space<hbm>>
    %dma_wait3A_351 = arith.constant 2560 : i32
    %dma_wait3A_352 = tpu.memref_slice %arg7[%dma_wait3A_351] : memref<4096xf32, #tpu.memory_space<vmem>> -> memref<512xf32, #tpu.memory_space<vmem>>
    tpu.wait_dma2 semaphore(%arg9 : memref<!tpu.dma_semaphore, #tpu.memory_space<semaphore_mem>>) src(%dma_wait3A_352 : memref<512xf32, #tpu.memory_space<vmem>>) dst(%dma_wait3A_350 : memref<512xf32, #tpu.memory_space<hbm>>)
    %dma_wait3A_353 = arith.constant 3072 : i32
    %dma_wait3A_354 = tpu.memref_slice %arg7[%dma_wait3A_353] : memref<4096xf32, #tpu.memory_space<vmem>> -> memref<512xf32, #tpu.memory_space<vmem>>
    %dma_wait3A_355 = tpu.memref_slice %arg4[%add3A_163, %add3A_165] : memref<32x8192xf32, #tpu.memory_space<hbm>> -> memref<1x512xf32, #tpu.memory_space<hbm>>
    %dma_wait3A_356 = tpu.memref_squeeze %dma_wait3A_355 : memref<1x512xf32, #tpu.memory_space<hbm>> -> memref<512xf32, #tpu.memory_space<hbm>>
    %dma_wait3A_357 = tpu.memref_slice %arg4[%add3A_163, %add3A_165] : memref<32x8192xf32, #tpu.memory_space<hbm>> -> memref<1x512xf32, #tpu.memory_space<hbm>>
    %dma_wait3A_358 = tpu.memref_squeeze %dma_wait3A_357 : memref<1x512xf32, #tpu.memory_space<hbm>> -> memref<512xf32, #tpu.memory_space<hbm>>
    %dma_wait3A_359 = arith.constant 3072 : i32
    %dma_wait3A_360 = tpu.memref_slice %arg7[%dma_wait3A_359] : memref<4096xf32, #tpu.memory_space<vmem>> -> memref<512xf32, #tpu.memory_space<vmem>>
    tpu.wait_dma2 semaphore(%arg9 : memref<!tpu.dma_semaphore, #tpu.memory_space<semaphore_mem>>) src(%dma_wait3A_360 : memref<512xf32, #tpu.memory_space<vmem>>) dst(%dma_wait3A_358 : memref<512xf32, #tpu.memory_space<hbm>>)
    %dma_wait3A_361 = arith.constant 3584 : i32
    %dma_wait3A_362 = tpu.memref_slice %arg7[%dma_wait3A_361] : memref<4096xf32, #tpu.memory_space<vmem>> -> memref<512xf32, #tpu.memory_space<vmem>>
    %dma_wait3A_363 = tpu.memref_slice %arg4[%add3A_177, %add3A_179] : memref<32x8192xf32, #tpu.memory_space<hbm>> -> memref<1x512xf32, #tpu.memory_space<hbm>>
    %dma_wait3A_364 = tpu.memref_squeeze %dma_wait3A_363 : memref<1x512xf32, #tpu.memory_space<hbm>> -> memref<512xf32, #tpu.memory_space<hbm>>
    %dma_wait3A_365 = tpu.memref_slice %arg4[%add3A_177, %add3A_179] : memref<32x8192xf32, #tpu.memory_space<hbm>> -> memref<1x512xf32, #tpu.memory_space<hbm>>
    %dma_wait3A_366 = tpu.memref_squeeze %dma_wait3A_365 : memref<1x512xf32, #tpu.memory_space<hbm>> -> memref<512xf32, #tpu.memory_space<hbm>>
    %dma_wait3A_367 = arith.constant 3584 : i32
    %dma_wait3A_368 = tpu.memref_slice %arg7[%dma_wait3A_367] : memref<4096xf32, #tpu.memory_space<vmem>> -> memref<512xf32, #tpu.memory_space<vmem>>
    tpu.wait_dma2 semaphore(%arg9 : memref<!tpu.dma_semaphore, #tpu.memory_space<semaphore_mem>>) src(%dma_wait3A_368 : memref<512xf32, #tpu.memory_space<vmem>>) dst(%dma_wait3A_366 : memref<512xf32, #tpu.memory_space<hbm>>)
    %dma_wait3A_369 = arith.constant 0 : i32
    %dma_wait3A_370 = tpu.memref_slice %arg8[%dma_wait3A_369] : memref<4096xf32, #tpu.memory_space<vmem>> -> memref<512xf32, #tpu.memory_space<vmem>>
    %dma_wait3A_371 = tpu.memref_slice %arg4[%add3A_197, %add3A_199] : memref<32x8192xf32, #tpu.memory_space<hbm>> -> memref<1x512xf32, #tpu.memory_space<hbm>>
    %dma_wait3A_372 = tpu.memref_squeeze %dma_wait3A_371 : memref<1x512xf32, #tpu.memory_space<hbm>> -> memref<512xf32, #tpu.memory_space<hbm>>
    %dma_wait3A_373 = tpu.memref_slice %arg4[%add3A_197, %add3A_199] : memref<32x8192xf32, #tpu.memory_space<hbm>> -> memref<1x512xf32, #tpu.memory_space<hbm>>
    %dma_wait3A_374 = tpu.memref_squeeze %dma_wait3A_373 : memref<1x512xf32, #tpu.memory_space<hbm>> -> memref<512xf32, #tpu.memory_space<hbm>>
    %dma_wait3A_375 = arith.constant 0 : i32
    %dma_wait3A_376 = tpu.memref_slice %arg8[%dma_wait3A_375] : memref<4096xf32, #tpu.memory_space<vmem>> -> memref<512xf32, #tpu.memory_space<vmem>>
    tpu.wait_dma2 semaphore(%arg10 : memref<!tpu.dma_semaphore, #tpu.memory_space<semaphore_mem>>) src(%dma_wait3A_376 : memref<512xf32, #tpu.memory_space<vmem>>) dst(%dma_wait3A_374 : memref<512xf32, #tpu.memory_space<hbm>>)
    %dma_wait3A_377 = arith.constant 512 : i32
    %dma_wait3A_378 = tpu.memref_slice %arg8[%dma_wait3A_377] : memref<4096xf32, #tpu.memory_space<vmem>> -> memref<512xf32, #tpu.memory_space<vmem>>
    %dma_wait3A_379 = tpu.memref_slice %arg4[%add3A_211, %add3A_213] : memref<32x8192xf32, #tpu.memory_space<hbm>> -> memref<1x512xf32, #tpu.memory_space<hbm>>
    %dma_wait3A_380 = tpu.memref_squeeze %dma_wait3A_379 : memref<1x512xf32, #tpu.memory_space<hbm>> -> memref<512xf32, #tpu.memory_space<hbm>>
    %dma_wait3A_381 = tpu.memref_slice %arg4[%add3A_211, %add3A_213] : memref<32x8192xf32, #tpu.memory_space<hbm>> -> memref<1x512xf32, #tpu.memory_space<hbm>>
    %dma_wait3A_382 = tpu.memref_squeeze %dma_wait3A_381 : memref<1x512xf32, #tpu.memory_space<hbm>> -> memref<512xf32, #tpu.memory_space<hbm>>
    %dma_wait3A_383 = arith.constant 512 : i32
    %dma_wait3A_384 = tpu.memref_slice %arg8[%dma_wait3A_383] : memref<4096xf32, #tpu.memory_space<vmem>> -> memref<512xf32, #tpu.memory_space<vmem>>
    tpu.wait_dma2 semaphore(%arg10 : memref<!tpu.dma_semaphore, #tpu.memory_space<semaphore_mem>>) src(%dma_wait3A_384 : memref<512xf32, #tpu.memory_space<vmem>>) dst(%dma_wait3A_382 : memref<512xf32, #tpu.memory_space<hbm>>)
    %dma_wait3A_385 = arith.constant 1024 : i32
    %dma_wait3A_386 = tpu.memref_slice %arg8[%dma_wait3A_385] : memref<4096xf32, #tpu.memory_space<vmem>> -> memref<512xf32, #tpu.memory_space<vmem>>
    %dma_wait3A_387 = tpu.memref_slice %arg4[%add3A_225, %add3A_227] : memref<32x8192xf32, #tpu.memory_space<hbm>> -> memref<1x512xf32, #tpu.memory_space<hbm>>
    %dma_wait3A_388 = tpu.memref_squeeze %dma_wait3A_387 : memref<1x512xf32, #tpu.memory_space<hbm>> -> memref<512xf32, #tpu.memory_space<hbm>>
    %dma_wait3A_389 = tpu.memref_slice %arg4[%add3A_225, %add3A_227] : memref<32x8192xf32, #tpu.memory_space<hbm>> -> memref<1x512xf32, #tpu.memory_space<hbm>>
    %dma_wait3A_390 = tpu.memref_squeeze %dma_wait3A_389 : memref<1x512xf32, #tpu.memory_space<hbm>> -> memref<512xf32, #tpu.memory_space<hbm>>
    %dma_wait3A_391 = arith.constant 1024 : i32
    %dma_wait3A_392 = tpu.memref_slice %arg8[%dma_wait3A_391] : memref<4096xf32, #tpu.memory_space<vmem>> -> memref<512xf32, #tpu.memory_space<vmem>>
    tpu.wait_dma2 semaphore(%arg10 : memref<!tpu.dma_semaphore, #tpu.memory_space<semaphore_mem>>) src(%dma_wait3A_392 : memref<512xf32, #tpu.memory_space<vmem>>) dst(%dma_wait3A_390 : memref<512xf32, #tpu.memory_space<hbm>>)
    %dma_wait3A_393 = arith.constant 1536 : i32
    %dma_wait3A_394 = tpu.memref_slice %arg8[%dma_wait3A_393] : memref<4096xf32, #tpu.memory_space<vmem>> -> memref<512xf32, #tpu.memory_space<vmem>>
    %dma_wait3A_395 = tpu.memref_slice %arg4[%add3A_239, %add3A_241] : memref<32x8192xf32, #tpu.memory_space<hbm>> -> memref<1x512xf32, #tpu.memory_space<hbm>>
    %dma_wait3A_396 = tpu.memref_squeeze %dma_wait3A_395 : memref<1x512xf32, #tpu.memory_space<hbm>> -> memref<512xf32, #tpu.memory_space<hbm>>
    %dma_wait3A_397 = tpu.memref_slice %arg4[%add3A_239, %add3A_241] : memref<32x8192xf32, #tpu.memory_space<hbm>> -> memref<1x512xf32, #tpu.memory_space<hbm>>
    %dma_wait3A_398 = tpu.memref_squeeze %dma_wait3A_397 : memref<1x512xf32, #tpu.memory_space<hbm>> -> memref<512xf32, #tpu.memory_space<hbm>>
    %dma_wait3A_399 = arith.constant 1536 : i32
    %dma_wait3A_400 = tpu.memref_slice %arg8[%dma_wait3A_399] : memref<4096xf32, #tpu.memory_space<vmem>> -> memref<512xf32, #tpu.memory_space<vmem>>
    tpu.wait_dma2 semaphore(%arg10 : memref<!tpu.dma_semaphore, #tpu.memory_space<semaphore_mem>>) src(%dma_wait3A_400 : memref<512xf32, #tpu.memory_space<vmem>>) dst(%dma_wait3A_398 : memref<512xf32, #tpu.memory_space<hbm>>)
    %dma_wait3A_401 = arith.constant 2048 : i32
    %dma_wait3A_402 = tpu.memref_slice %arg8[%dma_wait3A_401] : memref<4096xf32, #tpu.memory_space<vmem>> -> memref<512xf32, #tpu.memory_space<vmem>>
    %dma_wait3A_403 = tpu.memref_slice %arg4[%add3A_253, %add3A_255] : memref<32x8192xf32, #tpu.memory_space<hbm>> -> memref<1x512xf32, #tpu.memory_space<hbm>>
    %dma_wait3A_404 = tpu.memref_squeeze %dma_wait3A_403 : memref<1x512xf32, #tpu.memory_space<hbm>> -> memref<512xf32, #tpu.memory_space<hbm>>
    %dma_wait3A_405 = tpu.memref_slice %arg4[%add3A_253, %add3A_255] : memref<32x8192xf32, #tpu.memory_space<hbm>> -> memref<1x512xf32, #tpu.memory_space<hbm>>
    %dma_wait3A_406 = tpu.memref_squeeze %dma_wait3A_405 : memref<1x512xf32, #tpu.memory_space<hbm>> -> memref<512xf32, #tpu.memory_space<hbm>>
    %dma_wait3A_407 = arith.constant 2048 : i32
    %dma_wait3A_408 = tpu.memref_slice %arg8[%dma_wait3A_407] : memref<4096xf32, #tpu.memory_space<vmem>> -> memref<512xf32, #tpu.memory_space<vmem>>
    tpu.wait_dma2 semaphore(%arg10 : memref<!tpu.dma_semaphore, #tpu.memory_space<semaphore_mem>>) src(%dma_wait3A_408 : memref<512xf32, #tpu.memory_space<vmem>>) dst(%dma_wait3A_406 : memref<512xf32, #tpu.memory_space<hbm>>)
    %dma_wait3A_409 = arith.constant 2560 : i32
    %dma_wait3A_410 = tpu.memref_slice %arg8[%dma_wait3A_409] : memref<4096xf32, #tpu.memory_space<vmem>> -> memref<512xf32, #tpu.memory_space<vmem>>
    %dma_wait3A_411 = tpu.memref_slice %arg4[%add3A_267, %add3A_269] : memref<32x8192xf32, #tpu.memory_space<hbm>> -> memref<1x512xf32, #tpu.memory_space<hbm>>
    %dma_wait3A_412 = tpu.memref_squeeze %dma_wait3A_411 : memref<1x512xf32, #tpu.memory_space<hbm>> -> memref<512xf32, #tpu.memory_space<hbm>>
    %dma_wait3A_413 = tpu.memref_slice %arg4[%add3A_267, %add3A_269] : memref<32x8192xf32, #tpu.memory_space<hbm>> -> memref<1x512xf32, #tpu.memory_space<hbm>>
    %dma_wait3A_414 = tpu.memref_squeeze %dma_wait3A_413 : memref<1x512xf32, #tpu.memory_space<hbm>> -> memref<512xf32, #tpu.memory_space<hbm>>
    %dma_wait3A_415 = arith.constant 2560 : i32
    %dma_wait3A_416 = tpu.memref_slice %arg8[%dma_wait3A_415] : memref<4096xf32, #tpu.memory_space<vmem>> -> memref<512xf32, #tpu.memory_space<vmem>>
    tpu.wait_dma2 semaphore(%arg10 : memref<!tpu.dma_semaphore, #tpu.memory_space<semaphore_mem>>) src(%dma_wait3A_416 : memref<512xf32, #tpu.memory_space<vmem>>) dst(%dma_wait3A_414 : memref<512xf32, #tpu.memory_space<hbm>>)
    %dma_wait3A_417 = arith.constant 3072 : i32
    %dma_wait3A_418 = tpu.memref_slice %arg8[%dma_wait3A_417] : memref<4096xf32, #tpu.memory_space<vmem>> -> memref<512xf32, #tpu.memory_space<vmem>>
    %dma_wait3A_419 = tpu.memref_slice %arg4[%add3A_281, %add3A_283] : memref<32x8192xf32, #tpu.memory_space<hbm>> -> memref<1x512xf32, #tpu.memory_space<hbm>>
    %dma_wait3A_420 = tpu.memref_squeeze %dma_wait3A_419 : memref<1x512xf32, #tpu.memory_space<hbm>> -> memref<512xf32, #tpu.memory_space<hbm>>
    %dma_wait3A_421 = tpu.memref_slice %arg4[%add3A_281, %add3A_283] : memref<32x8192xf32, #tpu.memory_space<hbm>> -> memref<1x512xf32, #tpu.memory_space<hbm>>
    %dma_wait3A_422 = tpu.memref_squeeze %dma_wait3A_421 : memref<1x512xf32, #tpu.memory_space<hbm>> -> memref<512xf32, #tpu.memory_space<hbm>>
    %dma_wait3A_423 = arith.constant 3072 : i32
    %dma_wait3A_424 = tpu.memref_slice %arg8[%dma_wait3A_423] : memref<4096xf32, #tpu.memory_space<vmem>> -> memref<512xf32, #tpu.memory_space<vmem>>
    tpu.wait_dma2 semaphore(%arg10 : memref<!tpu.dma_semaphore, #tpu.memory_space<semaphore_mem>>) src(%dma_wait3A_424 : memref<512xf32, #tpu.memory_space<vmem>>) dst(%dma_wait3A_422 : memref<512xf32, #tpu.memory_space<hbm>>)
    %dma_wait3A_425 = arith.constant 3584 : i32
    %dma_wait3A_426 = tpu.memref_slice %arg8[%dma_wait3A_425] : memref<4096xf32, #tpu.memory_space<vmem>> -> memref<512xf32, #tpu.memory_space<vmem>>
    %dma_wait3A_427 = tpu.memref_slice %arg4[%add3A_295, %add3A_297] : memref<32x8192xf32, #tpu.memory_space<hbm>> -> memref<1x512xf32, #tpu.memory_space<hbm>>
    %dma_wait3A_428 = tpu.memref_squeeze %dma_wait3A_427 : memref<1x512xf32, #tpu.memory_space<hbm>> -> memref<512xf32, #tpu.memory_space<hbm>>
    %dma_wait3A_429 = tpu.memref_slice %arg4[%add3A_295, %add3A_297] : memref<32x8192xf32, #tpu.memory_space<hbm>> -> memref<1x512xf32, #tpu.memory_space<hbm>>
    %dma_wait3A_430 = tpu.memref_squeeze %dma_wait3A_429 : memref<1x512xf32, #tpu.memory_space<hbm>> -> memref<512xf32, #tpu.memory_space<hbm>>
    %dma_wait3A_431 = arith.constant 3584 : i32
    %dma_wait3A_432 = tpu.memref_slice %arg8[%dma_wait3A_431] : memref<4096xf32, #tpu.memory_space<vmem>> -> memref<512xf32, #tpu.memory_space<vmem>>
    tpu.wait_dma2 semaphore(%arg10 : memref<!tpu.dma_semaphore, #tpu.memory_space<semaphore_mem>>) src(%dma_wait3A_432 : memref<512xf32, #tpu.memory_space<vmem>>) dst(%dma_wait3A_430 : memref<512xf32, #tpu.memory_space<hbm>>)
    return
  }
}

module attributes {stable_mosaic.version = 14 : i64} {
  func.func @_table_body(%arg0: memref<8x8xf32, #tpu.memory_space<vmem>>, %arg1: memref<8x8xf32, #tpu.memory_space<vmem>>, %arg2: memref<1x8xf32, #tpu.memory_space<vmem>>, %arg3: memref<8x16xf32, #tpu.memory_space<vmem>>) attributes {dimension_semantics = [], scalar_prefetch = 0 : i64, scratch_operands = 0 : i64, tpu.core_type = #tpu.core_type<tc>} {
    %get3A = arith.constant 0 : index
    %get3A_0 = arith.constant 0 : index
    %get3A_1 = vector.load %arg0[%get3A, %get3A_0] : memref<8x8xf32, #tpu.memory_space<vmem>>, vector<8x8xf32>
    %get3A_2 = arith.constant 0 : index
    %get3A_3 = arith.constant 0 : index
    %get3A_4 = vector.load %arg1[%get3A_2, %get3A_3] : memref<8x8xf32, #tpu.memory_space<vmem>>, vector<8x8xf32>
    %dot_general3A = arith.constant dense<0.000000e+00> : vector<8x8xf32>
    %dot_general3A_5 = tpu.matmul %get3A_1, %get3A_4, %dot_general3A {dimension_numbers = #tpu.dot_dimension_numbers<[1], [1], [0], [0], [0, 0, 1, 0], [], []>, transpose_lhs_hint = false} : vector<8x8xf32>, vector<8x8xf32>, vector<8x8xf32> -> vector<8x8xf32>
    %get3A_6 = arith.constant 0 : index
    %get3A_7 = arith.constant 0 : index
    %get3A_8 = vector.load %arg2[%get3A_6, %get3A_7] : memref<1x8xf32, #tpu.memory_space<vmem>>, vector<1x8xf32>
    %add3A = vector.broadcast %get3A_8 : vector<1x8xf32> to vector<8x8xf32>
    %add3A_9 = arith.addf %dot_general3A_5, %add3A : vector<8x8xf32>
    %transpose3A = tpu.transpose %add3A_9, [1, 0] : vector<8x8xf32> -> vector<8x8xf32>
    %concatenate3A = tpu.concatenate %transpose3A, %transpose3A in 1 : vector<8x8xf32>, vector<8x8xf32> -> vector<8x16xf32>
    %swap3A = arith.constant 0 : index
    %swap3A_10 = arith.constant 0 : index
    %swap3A_11 = vector.load %arg3[%swap3A, %swap3A_10] : memref<8x16xf32, #tpu.memory_space<vmem>>, vector<8x16xf32>
    tpu.vector_store %arg3[%swap3A, %swap3A_10], %concatenate3A {strides = array<i32>} : memref<8x16xf32, #tpu.memory_space<vmem>>, vector<8x16xf32>,
    return
  }
}

</mosaic_0001>

<sc_bundles>
// kernel: kernel.4.cloned.1.call-start
scs
__scs_entry_jumppad:
0x0: {  	(pc) =	sbr.rel $0x88, $3  }
0x1: {  	(tag) =	ssettag $0x0;
	lr =	simm.s32 $0x1  }
0x2: {  	[smem:$0x3F9D] =	sst lr;
	_ =	strace $0xD0000000  }
0x3: {  	_ = 	snop  }
0x4: {  	_ = 	snop  }
0x5: {  	_ = 	snop  }
0x6: {  	_ = 	snop  }
0x7: {  	_ = 	snop  }
__scs_overlays_trampoline_lowered:
0x8: {  	[smem:$0x3FAC] =	sst s0  }
0x9: {  	[smem:$0x3FAD] =	sst s1  }
0xa: {  	[smem:$0x3FAE] =	sst s2  }
0xb: {  	[smem:$0x3FAF] =	sst s3  }
0xc: {  	[smem:$0x3FB0] =	sst s4  }
0xd: {  	[smem:$0x3FB1] =	sst s5  }
0xe: {  	[smem:$0x3FB2] =	sst s6  }
0xf: {  	[smem:$0x3FB3] =	sst s7  }
0x10: {  	[smem:$0x3FB4] =	sst s8  }
0x11: {  	[smem:$0x3FB5] =	sst s9;
	s0 =	simm.s32 @!p0 $0x0  }
0x12: {  	s1 =	sld [smem:$0x3F9B];
	s0 =	simm.s32 @p0 $0x1  }
0x13: {  	[smem:$0x3FB6] =	sst s0;
	s0 =	simm.s32 @!p1 $0x0  }
0x14: {  	s2 =	sld [smem:$0x3F9A];
	s0 =	simm.s32 @p1 $0x1  }
0x15: {  	[smem:$0x3FB7] =	sst s0;
	s0 =	simm.s32 @!p2 $0x0  }
0x16: {  	s3 =	sld [smem:$0x3FDB];
	s0 =	simm.s32 @p2 $0x1  }
0x17: {  	s4 =	simm.s32 $0x1BF5;
	[smem:$0x3FB9] =	sst s0  }
0x18: {  	s0 =	sld [smem:$0x3F9C];
	_ =	swait.ge [sflag:s4], $0x0  }
0x19: {  	s7 =	sld [smem:$0x3F9D]  }
0x1a: {  	s8 =	sadd.s32 $0xFFFFE003, lr  }
0x1b: {  	s9 =	sadd.s32 $0xFFFFFEF7, lr;
	s5 =	simm.s32 $0xFFFFFFFF;
	p2 =	slt.u32 s8, $0xFFFFF086  }
0x1c: {  	p1 =	slt.u32 s9, $0xF7A;
	s5 =	simm.s32 @!p2 $0x0  }
0x1d: {  	s5 =	simm.s32 @p1 $0x1;
	p0 =	seq.s32 s7, s2  }
0x1e: {  	s7 =	smul.u32 @!p0 $0xF7A, s2;
	p2 =	seq.s32 @!p0 s5, $0x0  }
0x1f: {  	s9 =	smul.u32 $0xF7A, s1;
	s8 =	simm.s32 @!p0 $0x1BF5;
	p2 =	por !p2, p0  }
0x20: {  	[sflag:s8] =	ssyncset.s32 @!p0 $0xFFFFF086;
	s6 =	sadd.s32 @!p0 s3, s7;
	s7 =	simm.s32 @!p0 $0x108  }
0x21: {  	s3 =	sadd.s32 s3, s9;
	s6 =	sadd.s32 @!p0 $0x88, s6;
	s7 =	simm.s32 @p2 $0x1082  }
0x22: {  	[simem:s7], [sflag:s8] =	dma.local @!p0 [hbm:s6], $0xF7A  }
0x23: {  	s9 =	sor.u32 $0xD0000000, s2;
	s6 =	simm.s32 $0x108;
	_ =	swait.ge @!p0 [sflag:s8], $0x0  }
0x24: {  	s3 =	sadd.s32 $0x88, s3;
	s6 =	simm.s32 @!p1 $0x1082;
	[sflag:s4] =	ssyncset.s32 $0xFFFFF086  }
0x25: {  	[simem:s6], [sflag:s4] =	dma.local [hbm:s3], $0xF7A  }
0x26: {  	[smem:$0x3F9D] =	sst s1;
	(tag) =	ssettag s2;
	_ =	strace s9  }
0x27: {  	s1 =	sld [smem:$0x3FAD]  }
0x28: {  	s2 =	sld [smem:$0x3FAE]  }
0x29: {  	s4 =	sld [smem:$0x3FB0]  }
0x2a: {  	p0 =	seq.s32 s5, $0x0;
	s5 =	sld [smem:$0x3FB1]  }
0x2b: {  	s6 =	sld [smem:$0x3FB2]  }
0x2c: {  	s7 =	sld [smem:$0x3FB3]  }
0x2d: {  	s3 =	simm.s32 $0x108;
	s8 =	sld [smem:$0x3FB4]  }
0x2e: {  	s3 =	simm.s32 @!p0 $0x1082;
	s9 =	sld [smem:$0x3FB5]  }
0x2f: {  	lr =	sadd.s32 s0, s3;
	s0 =	sld [smem:$0x3FAC]  }
0x30: {  	s3 =	sld [smem:$0x3FAF]  }
0x31: {  	[smem:$0x3FB8] =	sst s10  }
0x32: {  	s10 =	sld [smem:$0x3FB6];
	_ =	sdelay $0x3  }
0x33: {  	p0 =	seq.s32 s10, $0x1;
	s10 =	sld [smem:$0x3FB8];
	_ =	sdelay $0x3  }
0x34: {  	[smem:$0x3FB8] =	sst s10  }
0x35: {  	s10 =	sld [smem:$0x3FB7];
	_ =	sdelay $0x3  }
0x36: {  	p1 =	seq.s32 s10, $0x1;
	s10 =	sld [smem:$0x3FB8];
	_ =	sdelay $0x3  }
0x37: {  	[smem:$0x3FB8] =	sst s10  }
0x38: {  	s10 =	sld [smem:$0x3FB9]  }
0x39: {  	_ = 	snop;
	(pc) =	sbr.ind lr, $3  }
0x3a: {  	_ = 	snop  }
0x3b: {  	_ = 	snop  }
0x3c: {  	p2 =	seq.s32 s10, $0x1;
	s10 =	sld [smem:$0x3FB8]  }
0x3d: {  	_ =	shalt  }
0x3e: {  	_ =	shalt  }
0x3f: {  	_ =	shalt  }
0x40: {  	_ =	shalt  }
0x41: {  	_ =	shalt  }
0x42: {  	_ =	shalt  }
0x43: {  	_ =	shalt  }
0x44: {  	_ =	shalt  }
0x45: {  	_ =	shalt  }
0x46: {  	_ =	shalt  }
0x47: {  	_ =	shalt  }
0x48: {  	_ =	shalt  }
0x49: {  	_ =	shalt  }
0x4a: {  	_ =	shalt  }
0x4b: {  	_ =	shalt  }
0x4c: {  	_ =	shalt  }
0x4d: {  	_ =	shalt  }
0x4e: {  	_ =	shalt  }
0x4f: {  	_ =	shalt  }
0x50: {  	_ =	shalt  }
0x51: {  	_ =	shalt  }
0x52: {  	_ =	shalt  }
0x53: {  	_ =	shalt  }
0x54: {  	_ =	shalt  }
0x55: {  	_ =	shalt  }
0x56: {  	_ =	shalt  }
0x57: {  	_ =	shalt  }
0x58: {  	_ =	shalt  }
0x59: {  	_ =	shalt  }
0x5a: {  	_ =	shalt  }
0x5b: {  	_ =	shalt  }
0x5c: {  	_ =	shalt  }
0x5d: {  	_ =	shalt  }
0x5e: {  	_ =	shalt  }
0x5f: {  	_ =	shalt  }
0x60: {  	_ =	shalt  }
0x61: {  	_ =	shalt  }
0x62: {  	_ =	shalt  }
0x63: {  	_ =	shalt  }
0x64: {  	_ =	shalt  }
0x65: {  	_ =	shalt  }
0x66: {  	_ =	shalt  }
0x67: {  	_ =	shalt  }
0x68: {  	_ =	shalt  }
0x69: {  	_ =	shalt  }
0x6a: {  	_ =	shalt  }
0x6b: {  	_ =	shalt  }
0x6c: {  	_ =	shalt  }
0x6d: {  	_ =	shalt  }
0x6e: {  	_ =	shalt  }
0x6f: {  	_ =	shalt  }
0x70: {  	_ =	shalt  }
0x71: {  	_ =	shalt  }
0x72: {  	_ =	shalt  }
0x73: {  	_ =	shalt  }
0x74: {  	_ =	shalt  }
0x75: {  	_ =	shalt  }
0x76: {  	_ =	shalt  }
0x77: {  	_ =	shalt  }
0x78: {  	_ =	shalt  }
0x79: {  	_ =	shalt  }
0x7a: {  	_ =	shalt  }
0x7b: {  	_ =	shalt  }
0x7c: {  	_ =	shalt  }
0x7d: {  	_ =	shalt  }
0x7e: {  	_ =	shalt  }
0x7f: {  	_ =	shalt  }
0x80: {  	_ =	shalt  }
0x81: {  	_ =	shalt  }
0x82: {  	_ =	shalt  }
0x83: {  	_ =	shalt  }
0x84: {  	_ =	shalt  }
0x85: {  	_ =	shalt  }
0x86: {  	_ =	shalt  }
0x87: {  	_ =	shalt  }
.Lfunc_end0:
.L_simem_size_0:
called_computation_lowered:
.L_overlay_start_0:
0x88: {  	s2 =	sld [smem:$0x3FD9]  }
0x89: {  	s3 =	sld [smem:$0x3FFE];
	_ =	sdelay $0x1  }
0x8a: {  	s1 =	srdreg.scid  }
0x8b: {  	s0 =	sand.u32 $0x1, s1  }
0x8c: {  	s17 =	sshll.u32 s0, $0xA;
	s2 =	sadd.s32 s3, s2  }
0x8d: {  	s2 =	sadd.s32 s2, s17  }
0x8e: {  	[smem:$0x3FC4] =	sst s2  }
0x8f: {  	_ = 	snop  }
0x90: {  	s2 =	sld [smem:$0x3FC9]  }
0x91: {  	s18 =	sld [smem:$0x3FD0];
	(tm) =	ssettm $0x1  }
0x92: {  	s4 =	sld [smem:$0x3FFB];
	_ =	sdelay $0x3  }
0x93: {  	_ =	strace s4  }
0x94: {  	s4 =	sld [smem:$0x3FFC];
	_ =	sdelay $0x3  }
0x95: {  	_ =	strace s4  }
0x96: {  	s4 =	sld [smem:$0x3FFD];
	_ =	sdelay $0x3  }
0x97: {  	_ =	strace s4  }
0x98: {  	_ =	strace $0x8FFFFFFF  }
0x99: {  	s19 =	sld [smem:$0x3FDB];
	_ =	sdelay $0x1  }
0x9a: {  	s5 =	simm.s32 $_scs_section_size  }
0x9b: {  	s6 =	simm.s32 $_size__tile_overlayer_lowered;
	s7 =	simm.s32 $_tile_overlayer_lowered  }
0x9c: {  	s22 =	simm.s32 $0x1BFF;
	s21 =	sshll.u32 s7, $0x1;
	s4 =	sadd.s32 s5, s19  }
0x9d: {  	s8 =	simm.s32 $0x0;
	s20 =	sshll.u32 s6, $0x1;
	s6 =	sadd.s32 s21, s4  }
0x9e: {  	[timem:s8], [sflag:s22] =	dma.local [hbm:s6], s20  }
0x9f: {  	_ =	swait.ge [sflag:s22], s20  }
0xa0: {  	s5 =	ssub.s32 $0x0, s20;
	[sflag:s22] =	ssyncset.done $0x0  }
0xa1: {  	[sflag:s22] =	ssyncadd.s32 s5;
	_ =	sdelay $0x1  }
0xa2: {  	s23 =	simm.s32 $0x1B8B  }
0xa3: {  	_ =	swait.ge [sflag:s23], $0x1  }
0xa4: {  	[sflag:s23] =	ssyncset.done $0x0  }
0xa5: {  	s25 =	simm.s32 $0x1B8E;
	s24 =	sld [smem:$0x3FFE];
	[sflag:s23] =	ssyncadd.s32 $0xFFFFFFFF  }
0xa6: {  	s26 =	simm.s32 $execute0_lowered;
	[smem:$0x3FD2] =	sst s25  }
0xa7: {  	s6 =	sshll.u32 s26, $0x1;
	_ =	strace $0x80000046;
	[dreg:$0x1] =	wrdreg $0xFFFFFFFF  }
0xa8: {  	s28 =	simm.s32 $_size_execute0_lowered;
	s4 =	sadd.s32 s4, s6;
	[dreg:$0x0] =	wrdreg $0x0  }
0xa9: {  	s6 =	sshll.u32 s28, $0x1;
	[dreg:$0x2] =	wrdreg s4  }
0xaa: {  	[dreg:$0x3] =	wrdreg s6  }
0xab: {  	[dreg:$0x4] =	wrdreg $0xC0  }
0xac: {  	_ =	task [dreg:s8], $0x5FFFF  }
0xad: {  	[dreg:$0x1] =	wrdreg $0xFFFFFFFF  }
0xae: {  	[dreg:$0x0] =	wrdreg $0x60  }
0xaf: {  	[dreg:$0x2] =	wrdreg s2  }
0xb0: {  	[dreg:$0x3] =	wrdreg s24  }
0xb1: {  	[dreg:$0x4] =	wrdreg s18  }
0xb2: {  	[dreg:$0x5] =	wrdreg $0x9  }
0xb3: {  	_ =	task.clear_ibuf [dreg:s8], $0x6FFFF;
	_ =	strace $0x90000046  }
0xb4: {  	s29 =	simm.s32 $0x9;
	_ =	strace $0x80000048  }
0xb5: {  	_ =	swait.ge [sflag:s29], $0x1  }
0xb6: {  	[sflag:s29] =	ssyncadd.s32 $0xFFFFFFFF  }
0xb7: {  	_ =	strace $0x90000048  }
0xb8: {  	_ =	sfence  }
0xb9: {  	s30 =	sld [smem:$0x0];
	_ =	sdelay $0x2  }
0xba: {  	s31 =	sshll.u32 s1, $0xD;
	s1 =	sshrl.u32 s1, $0x2  }
0xbb: {  	s3 =	sand.u32 $0x4000, s31;
	s1 =	sadd.s32 s1, s30  }
0xbc: {  	s0 =	sor.u32 s3, s0;
	s1 =	sshll.u32 s1, $0x11  }
0xbd: {  	s0 =	sor.u32 s1, s0  }
0xbe: {  	s0 =	sadd.s32 $0x8F2B, s0  }
0xbf: {  	[sflag:s0] =	ssyncadd.remote.s32 $0x1  }
0xc0: {  	_ =	sfence.sel $0xFFFF  }
0xc1: {  	[dreg:$0x0] =	wrdreg $0xFFFFFFFF;
	(pc) =	sbr.abs _section_cstart, $3  }
0xc2: {  	[dreg:$0x1] =	wrdreg $0xFFFFFFFF  }
0xc3: {  	_ =	task.clear_ibuf [dreg:s8], $0x2FFFF;
	_ =	strace $0x9FFFFFFF  }
0xc4: {  	(tm) =	ssettm $0x7FFFFFFF  }
0xc5: {  	_ =	shalt  }
tec
execute0_lowered:
.L_overlay_start_1:
0x0: {  	(tag) =	ssettag $0x1  }
0x1: {  	s0 =	rddreg [dreg:$0x0]  }
0x2: {  	s1 =	rddreg [dreg:$0x1]  }
0x3: {  	s13 =	rddreg [dreg:$0x2];
	s2 =	simm.s32 $0x0;
	s21 =	stileid.u32  }
0x4: {  	s4 =	srdreg.scid;
	s29 =	simm.s32 $0x1;
	s30 =	simm.s32 $0x2  }
0x5: {  	s31 =	simm.s32 $0x0;
	[smem:$0x7FF] =	sst s2;
	s5 =	sshll.u32 s21, $0x1  }
0x6: {  	s3 =	sadd.s32 $0xC00, s1;
	s22 =	sand.u32 $0x1, s4;
	s6 =	sshrl.u32 s21, $0x2  }
0x7: {  	s28 =	sadd.s32 $0x10, s13;
	s15 =	sadd.s32 $0x20, s13;
	s16 =	sadd.s32 $0x30, s13  }
0x8: {  	s17 =	sadd.s32 $0x40, s13;
	s18 =	sadd.s32 $0x50, s13;
	s19 =	sadd.s32 $0x60, s13  }
0x9: {  	s20 =	sadd.s32 $0x70, s13;
	_ =	strace $0x80000047;
	s23 =	sand.u32 $0x6, s5  }
0xa: {  	s24 =	ssub.s32 $0x2, s22;
	s8 =	sshll.u32 s6, $0x4;
	s6 =	sshll.u32 s6, $0xD  }
0xb: {  	s1 =	sor.u32 s22, s23;
	s25 =	sshrl.u32 s24, $0x1;
	s0 =	sadd.s32 s0, s8  }
0xc: {  	s23 =	simm.s32 $0x80;
	s7 =	sshll.u32 s1, $0xA;
	s1 =	sshll.u32 s1, $0x9  }
0xd: {  	s21 =	ssub.s32 s24, s25;
	s25 =	simm.s32 $0x400;
	s26 =	sor.u32 s6, s7  }
0xe: {  	s4 =	sadd.s32 s1, s0;
	s21 =	smax.u32 s21, $0x1;
	s5 =	sadd.s32 s13, s26  }
0xf: {  	s6 =	sadd.s32 s26, s28;
	s7 =	sadd.s32 s26, s15;
	s8 =	sadd.s32 s26, s16  }
0x10: {  	s9 =	sadd.s32 s26, s17;
	s10 =	sadd.s32 s26, s18;
	s11 =	sadd.s32 s26, s19  }
0x11: {  	s22 =	sor.u32 $0x200, s26;
	s12 =	sadd.s32 s26, s20;
	s26 =	simm.s32 $0x800  }
0x12: {  	s13 =	sadd.s32 s13, s22;
	s14 =	sadd.s32 s22, s28;
	s15 =	sadd.s32 s22, s15  }
0x13: {  	s16 =	sadd.s32 s22, s16;
	s17 =	sadd.s32 s22, s17;
	s18 =	sadd.s32 s22, s18  }
0x14: {  	s19 =	sadd.s32 s22, s19;
	s20 =	sadd.s32 s22, s20;
	s22 =	simm.s32 $0x3  }
.LBB2_1:
0x15: {  	s1 =	simm.s32 $0x0  }
0x16: {  	[tilespmem:s1], [sflag:$0x3] =	stream.linear.gather [hbm4b:s3+s1], $0x400, $0x38;
	[tilespmem:$0x2800] =	vst v63  }
0x17: {  	_ =	swait.ge [sflag:s22], $0x400  }
0x18: {  	[sflag:s22] =	ssyncset.done $0x0  }
0x19: {  	s0 =	simm.s32 $0x200;
	[sflag:s22] =	ssyncadd.s32 $0xFFFFFC00  }
0x1a: {  	[tilespmem:s25], [sflag:$0x3] =	stream.strided.gather [hbm4b:s4+s23], $0x400, s0, s23, $0x38;
	[tilespmem:$0x2800] =	vst v63  }
0x1b: {  	_ =	swait.ge [sflag:s22], $0x400  }
0x1c: {  	[sflag:s22] =	ssyncset.done $0x0  }
0x1d: {  	s0 =	simm.s32 $0x410;
	[sflag:s22] =	ssyncadd.s32 $0xFFFFFC00  }
0x1e: {  	v5 =	vld [tilespmem:s0+$0xFFFFFFF0]  }
0x1f: {  	v3 =	vld [tilespmem:$0x0]  }
0x20: {  	v0 =	vld [tilespmem:$0x380]  }
0x21: {  	v1 =	vld [tilespmem:$0x300]  }
0x22: {  	v2 =	vld [tilespmem:$0x280]  }
0x23: {  	v6 =	vld [tilespmem:$0x200];
	v8 =	vand.u32 $0xF, v5  }
0x24: {  	v5 =	vld [tilespmem:$0x180];
	v9 =	vperm.xlane v3, v8  }
0x25: {  	v4 =	vld [tilespmem:$0x80];
	v10 =	vperm.xlane v0, v8  }
0x26: {  	s1 =	sand.u32 $0x1E0, s1;
	v7 =	vld [tilespmem:$0x100];
	v11 =	vperm.xlane v1, v8;
	[tilespmem:s26+$0x0] =	vst v9  }
0x27: {  	v9 =	vperm.xlane v2, v8;
	[tilespmem:s1+$0x1600] =	vst v10  }
0x28: {  	v10 =	vperm.xlane v6, v8;
	[tilespmem:s1+$0x1400] =	vst v11  }
0x29: {  	v11 =	vperm.xlane v5, v8;
	[tilespmem:s1+$0x1200] =	vst v9  }
0x2a: {  	v9 =	vperm.xlane v4, v8;
	[tilespmem:s1+$0x1000] =	vst v10  }
0x2b: {  	v8 =	vperm.xlane v7, v8;
	[tilespmem:s1+$0xE00] =	vst v11  }
0x2c: {  	[tilespmem:s1+$0xA00] =	vst v9  }
0x2d: {  	[tilespmem:s1+$0xC00] =	vst v8  }
0x2e: {  	s24 =	simm.s32 $0x20;
	s28 =	simm.s32 $0x800;
	s1 =	simm.s32 $0x800;
	v8 =	vld [tilespmem:s0+$0x0]  }
.LBB2_2:
0x2f: {  	_ = 	snop  }
0x30: {  	p0 =	sne.s32 s24, $0x1E0;
	s28 =	sadd.s32 $0x20, s28;
	s0 =	sadd.s32 $0x20, s0  }
0x31: {  	s2 =	smov.u32 s24;
	s24 =	sadd.s32 $0x20, s24;
	_ =	sdelay $0x1  }
0x32: {  	v8 =	vand.u32 $0xF, v8  }
0x33: {  	v9 =	vperm.xlane v3, v8;
	v10 =	vperm.xlane v7, v8  }
0x34: {  	v11 =	vperm.xlane v4, v8;
	v12 =	vperm.xlane v5, v8  }
0x35: {  	v13 =	vperm.xlane v2, v8;
	[tilespmem:s1+$0x10] =	vst v9;
	v9 =	vperm.xlane v6, v8  }
0x36: {  	[tilespmem:s1+$0x210] =	vst v11;
	v11 =	vperm.xlane v1, v8;
	v8 =	vperm.xlane v0, v8  }
0x37: {  	[tilespmem:s1+$0x410] =	vst v10  }
0x38: {  	[tilespmem:s1+$0x810] =	vst v9  }
0x39: {  	[tilespmem:s1+$0x610] =	vst v12  }
0x3a: {  	[tilespmem:s1+$0xA10] =	vst v13  }
0x3b: {  	[tilespmem:s1+$0xC10] =	vst v11  }
0x3c: {  	[tilespmem:s1+$0xE10] =	vst v8;
	s1 =	smov.u32 s28  }
0x3d: {  	v8 =	vld [tilespmem:s0+$0xFFFFFFF0];
	_ =	sdelay $0x4  }
0x3e: {  	v8 =	vand.u32 $0xF, v8  }
0x3f: {  	v9 =	vperm.xlane v3, v8;
	v10 =	vperm.xlane v1, v8  }
0x40: {  	v11 =	vperm.xlane v7, v8;
	v12 =	vperm.xlane v0, v8  }
0x41: {  	s2 =	sand.u32 $0x1E0, s2;
	v13 =	vperm.xlane v5, v8;
	[tilespmem:s28+$0x0] =	vst v9;
	v9 =	vperm.xlane v4, v8  }
0x42: {  	v14 =	vperm.xlane v6, v8;
	v8 =	vperm.xlane v2, v8;
	[tilespmem:s2+$0x1600] =	vst v12  }
0x43: {  	[tilespmem:s2+$0x1400] =	vst v10  }
0x44: {  	[tilespmem:s2+$0x1200] =	vst v8  }
.Ltmp0:
0x45: {  	[tilespmem:s2+$0x1000] =	vst v14;
	(pc) =	sbr.rel @p0 .LBB2_2-.Ltmp0, $4  }
0x46: {  	[tilespmem:s2+$0xE00] =	vst v13  }
0x47: {  	[tilespmem:s2+$0xA00] =	vst v9  }
0x48: {  	[tilespmem:s2+$0xC00] =	vst v11  }
0x49: {  	v8 =	vld [tilespmem:s0+$0x0]  }
0x4a: {  	_ =	sdelay $0x3  }
0x4b: {  	v8 =	vand.u32 $0xF, v8  }
0x4c: {  	v9 =	vperm.xlane v3, v8  }
0x4d: {  	v10 =	vperm.xlane v4, v8  }
0x4e: {  	v11 =	vperm.xlane v7, v8;
	[tilespmem:s1+$0x10] =	vst v9  }
0x4f: {  	v9 =	vperm.xlane v6, v8;
	[tilespmem:s1+$0x210] =	vst v10  }
0x50: {  	v10 =	vperm.xlane v5, v8;
	[tilespmem:s1+$0x410] =	vst v11  }
0x51: {  	v11 =	vperm.xlane v2, v8;
	[tilespmem:s1+$0x810] =	vst v9  }
0x52: {  	v9 =	vperm.xlane v1, v8;
	[tilespmem:s1+$0x610] =	vst v10  }
0x53: {  	v8 =	vperm.xlane v0, v8;
	[tilespmem:s1+$0xA10] =	vst v11  }
0x54: {  	[tilespmem:s1+$0xC10] =	vst v9  }
0x55: {  	[tilespmem:s1+$0xE10] =	vst v8  }
0x56: {  	[hbm4b:s5+s23] =	stream.strided.scatter [tilespmem:s26], [sflag:$0x1], $0x200, s25, s23, $0x38;
	[tilespmem:$0x2800] =	vst v63  }
0x57: {  	s0 =	simm.s32 $0xA00  }
0x58: {  	[hbm4b:s6+s23] =	stream.strided.scatter [tilespmem:s0], [sflag:$0x1], $0x200, s25, s23, $0x38;
	[tilespmem:$0x2800] =	vst v63  }
0x59: {  	s1 =	simm.s32 $0xC00  }
0x5a: {  	[hbm4b:s7+s23] =	stream.strided.scatter [tilespmem:s1], [sflag:$0x1], $0x200, s25, s23, $0x38;
	[tilespmem:$0x2800] =	vst v63  }
0x5b: {  	s2 =	simm.s32 $0xE00  }
0x5c: {  	[hbm4b:s8+s23] =	stream.strided.scatter [tilespmem:s2], [sflag:$0x1], $0x200, s25, s23, $0x38;
	[tilespmem:$0x2800] =	vst v63  }
0x5d: {  	s24 =	simm.s32 $0x1000  }
0x5e: {  	[hbm4b:s9+s23] =	stream.strided.scatter [tilespmem:s24], [sflag:$0x1], $0x200, s25, s23, $0x38;
	[tilespmem:$0x2800] =	vst v63  }
0x5f: {  	s1 =	simm.s32 $0x1200  }
0x60: {  	[hbm4b:s10+s23] =	stream.strided.scatter [tilespmem:s1], [sflag:$0x1], $0x200, s25, s23, $0x38;
	[tilespmem:$0x2800] =	vst v63  }
0x61: {  	s2 =	simm.s32 $0x1400  }
0x62: {  	[hbm4b:s11+s23] =	stream.strided.scatter [tilespmem:s2], [sflag:$0x1], $0x200, s25, s23, $0x38;
	[tilespmem:$0x2800] =	vst v63  }
0x63: {  	s0 =	simm.s32 $0x610;
	s24 =	simm.s32 $0x1600  }
0x64: {  	[hbm4b:s12+s23] =	stream.strided.scatter [tilespmem:s24], [sflag:$0x1], $0x200, s25, s23, $0x38;
	[tilespmem:$0x2800] =	vst v63  }
0x65: {  	v8 =	vld [tilespmem:s0+$0xFFFFFFF0];
	_ =	sdelay $0x4  }
0x66: {  	v8 =	vand.u32 $0xF, v8  }
0x67: {  	v9 =	vperm.xlane v3, v8  }
0x68: {  	s1 =	simm.s32 $0x1800;
	v10 =	vperm.xlane v4, v8  }
0x69: {  	s2 =	simm.s32 $0x0;
	v11 =	vperm.xlane v0, v8;
	[tilespmem:s1+$0x0] =	vst v9  }
0x6a: {  	s2 =	sand.u32 $0x1E0, s2;
	v9 =	vperm.xlane v1, v8;
	[tilespmem:s1+$0x200] =	vst v10  }
0x6b: {  	v10 =	vperm.xlane v2, v8;
	[tilespmem:s2+$0x2600] =	vst v11  }
0x6c: {  	v11 =	vperm.xlane v6, v8;
	[tilespmem:s2+$0x2400] =	vst v9  }
0x6d: {  	v9 =	vperm.xlane v7, v8;
	[tilespmem:s2+$0x2200] =	vst v10  }
0x6e: {  	v8 =	vperm.xlane v5, v8;
	[tilespmem:s2+$0x2000] =	vst v11  }
0x6f: {  	[tilespmem:s2+$0x1C00] =	vst v9  }
0x70: {  	[tilespmem:s2+$0x1E00] =	vst v8  }
0x71: {  	s28 =	simm.s32 $0x20;
	s24 =	simm.s32 $0x1800;
	v8 =	vld [tilespmem:s0+$0x0]  }
.LBB2_4:
0x72: {  	_ = 	snop  }
0x73: {  	p0 =	sne.s32 s28, $0x1E0;
	s1 =	sadd.s32 $0x20, s1;
	s0 =	sadd.s32 $0x20, s0  }
0x74: {  	s2 =	smov.u32 s28;
	s28 =	sadd.s32 $0x20, s28;
	_ =	sdelay $0x1  }
0x75: {  	v8 =	vand.u32 $0xF, v8  }
0x76: {  	v9 =	vperm.xlane v3, v8;
	v10 =	vperm.xlane v4, v8  }
0x77: {  	v11 =	vperm.xlane v7, v8;
	v12 =	vperm.xlane v5, v8  }
0x78: {  	v13 =	vperm.xlane v2, v8;
	[tilespmem:s24+$0x10] =	vst v9;
	v9 =	vperm.xlane v6, v8  }
0x79: {  	[tilespmem:s24+$0x210] =	vst v10;
	v10 =	vperm.xlane v1, v8;
	v8 =	vperm.xlane v0, v8  }
0x7a: {  	[tilespmem:s24+$0x410] =	vst v11  }
0x7b: {  	[tilespmem:s24+$0x810] =	vst v9  }
0x7c: {  	[tilespmem:s24+$0x610] =	vst v12  }
0x7d: {  	[tilespmem:s24+$0xA10] =	vst v13  }
0x7e: {  	[tilespmem:s24+$0xC10] =	vst v10  }
0x7f: {  	[tilespmem:s24+$0xE10] =	vst v8;
	s24 =	smov.u32 s1  }
0x80: {  	v8 =	vld [tilespmem:s0+$0xFFFFFFF0];
	_ =	sdelay $0x4  }
0x81: {  	v8 =	vand.u32 $0xF, v8  }
0x82: {  	v9 =	vperm.xlane v3, v8;
	v10 =	vperm.xlane v4, v8  }
0x83: {  	v11 =	vperm.xlane v0, v8  }
0x84: {  	[tilespmem:s1+$0x0] =	vst v9;
	v9 =	vperm.xlane v1, v8  }
0x85: {  	s2 =	sand.u32 $0x1E0, s2;
	v12 =	vperm.xlane v2, v8;
	[tilespmem:s1+$0x200] =	vst v10;
	v10 =	vperm.xlane v6, v8  }
0x86: {  	[tilespmem:s2+$0x2600] =	vst v11  }
0x87: {  	[tilespmem:s2+$0x2400] =	vst v9  }
.Ltmp1:
0x88: {  	v9 =	vperm.xlane v7, v8;
	[tilespmem:s2+$0x2200] =	vst v12;
	(pc) =	sbr.rel @p0 .LBB2_4-.Ltmp1, $4  }
0x89: {  	v8 =	vperm.xlane v5, v8;
	[tilespmem:s2+$0x2000] =	vst v10  }
0x8a: {  	[tilespmem:s2+$0x1C00] =	vst v9  }
0x8b: {  	[tilespmem:s2+$0x1E00] =	vst v8  }
0x8c: {  	v8 =	vld [tilespmem:s0+$0x0]  }
0x8d: {  	_ =	sdelay $0x3  }
0x8e: {  	v8 =	vand.u32 $0xF, v8  }
0x8f: {  	v3 =	vperm.xlane v3, v8  }
0x90: {  	v4 =	vperm.xlane v4, v8  }
0x91: {  	v7 =	vperm.xlane v7, v8;
	[tilespmem:s24+$0x10] =	vst v3  }
0x92: {  	v62 =	vperm.xlane v6, v8;
	[tilespmem:s24+$0x210] =	vst v4  }
0x93: {  	v63 =	vperm.xlane v5, v8;
	[tilespmem:s24+$0x410] =	vst v7  }
0x94: {  	v2 =	vperm.xlane v2, v8;
	[tilespmem:s24+$0x810] =	vst v62  }
0x95: {  	v1 =	vperm.xlane v1, v8;
	[tilespmem:s24+$0x610] =	vst v63  }
0x96: {  	v0 =	vperm.xlane v0, v8;
	[tilespmem:s24+$0xA10] =	vst v2  }
0x97: {  	[tilespmem:s24+$0xC10] =	vst v1  }
0x98: {  	s0 =	simm.s32 $0x1800;
	[tilespmem:s24+$0xE10] =	vst v0  }
0x99: {  	[hbm4b:s13+s23] =	stream.strided.scatter [tilespmem:s0], [sflag:$0x2], $0x200, s25, s23, $0x38;
	[tilespmem:$0x2800] =	vst v63  }
0x9a: {  	s2 =	simm.s32 $0x1A00  }
0x9b: {  	[hbm4b:s14+s23] =	stream.strided.scatter [tilespmem:s2], [sflag:$0x2], $0x200, s25, s23, $0x38;
	[tilespmem:$0x2800] =	vst v63  }
0x9c: {  	s24 =	simm.s32 $0x1C00  }
0x9d: {  	[hbm4b:s15+s23] =	stream.strided.scatter [tilespmem:s24], [sflag:$0x2], $0x200, s25, s23, $0x38;
	[tilespmem:$0x2800] =	vst v63  }
0x9e: {  	s28 =	simm.s32 $0x1E00  }
0x9f: {  	[hbm4b:s16+s23] =	stream.strided.scatter [tilespmem:s28], [sflag:$0x2], $0x200, s25, s23, $0x38;
	[tilespmem:$0x2800] =	vst v63  }
0xa0: {  	s1 =	simm.s32 $0x2000  }
0xa1: {  	[hbm4b:s17+s23] =	stream.strided.scatter [tilespmem:s1], [sflag:$0x2], $0x200, s25, s23, $0x38;
	[tilespmem:$0x2800] =	vst v63  }
0xa2: {  	s2 =	simm.s32 $0x2200  }
0xa3: {  	[hbm4b:s18+s23] =	stream.strided.scatter [tilespmem:s2], [sflag:$0x2], $0x200, s25, s23, $0x38;
	[tilespmem:$0x2800] =	vst v63  }
0xa4: {  	s24 =	simm.s32 $0x2400  }
0xa5: {  	[hbm4b:s19+s23] =	stream.strided.scatter [tilespmem:s24], [sflag:$0x2], $0x200, s25, s23, $0x38;
	[tilespmem:$0x2800] =	vst v63  }
0xa6: {  	s28 =	simm.s32 $0x2600  }
0xa7: {  	[hbm4b:s20+s23] =	stream.strided.scatter [tilespmem:s28], [sflag:$0x2], $0x200, s25, s23, $0x38;
	[tilespmem:$0x2800] =	vst v63  }
0xa8: {  	_ =	swait.ge [sflag:s29], $0x200  }
0xa9: {  	[sflag:s29] =	ssyncset.done $0x0  }
0xaa: {  	[sflag:s29] =	ssyncadd.s32 $0xFFFFFE00  }
0xab: {  	_ =	swait.ge [sflag:s29], $0x200  }
0xac: {  	[sflag:s29] =	ssyncset.done $0x0  }
0xad: {  	[sflag:s29] =	ssyncadd.s32 $0xFFFFFE00  }
0xae: {  	_ =	swait.ge [sflag:s29], $0x200  }
0xaf: {  	[sflag:s29] =	ssyncset.done $0x0  }
0xb0: {  	[sflag:s29] =	ssyncadd.s32 $0xFFFFFE00  }
0xb1: {  	_ =	swait.ge [sflag:s29], $0x200  }
0xb2: {  	[sflag:s29] =	ssyncset.done $0x0  }
0xb3: {  	[sflag:s29] =	ssyncadd.s32 $0xFFFFFE00  }
0xb4: {  	_ =	swait.ge [sflag:s29], $0x200  }
0xb5: {  	[sflag:s29] =	ssyncset.done $0x0  }
0xb6: {  	[sflag:s29] =	ssyncadd.s32 $0xFFFFFE00  }
0xb7: {  	_ =	swait.ge [sflag:s29], $0x200  }
0xb8: {  	[sflag:s29] =	ssyncset.done $0x0  }
0xb9: {  	[sflag:s29] =	ssyncadd.s32 $0xFFFFFE00  }
0xba: {  	_ =	swait.ge [sflag:s29], $0x200  }
0xbb: {  	[sflag:s29] =	ssyncset.done $0x0  }
0xbc: {  	[sflag:s29] =	ssyncadd.s32 $0xFFFFFE00  }
0xbd: {  	_ =	swait.ge [sflag:s29], $0x200  }
0xbe: {  	[sflag:s29] =	ssyncset.done $0x0  }
0xbf: {  	[sflag:s29] =	ssyncadd.s32 $0xFFFFFE00  }
0xc0: {  	_ =	swait.ge [sflag:s30], $0x200  }
0xc1: {  	[sflag:s30] =	ssyncset.done $0x0  }
0xc2: {  	[sflag:s30] =	ssyncadd.s32 $0xFFFFFE00  }
0xc3: {  	_ =	swait.ge [sflag:s30], $0x200  }
0xc4: {  	[sflag:s30] =	ssyncset.done $0x0  }
0xc5: {  	[sflag:s30] =	ssyncadd.s32 $0xFFFFFE00  }
0xc6: {  	_ =	swait.ge [sflag:s30], $0x200  }
0xc7: {  	[sflag:s30] =	ssyncset.done $0x0  }
0xc8: {  	[sflag:s30] =	ssyncadd.s32 $0xFFFFFE00  }
0xc9: {  	_ =	swait.ge [sflag:s30], $0x200  }
0xca: {  	[sflag:s30] =	ssyncset.done $0x0  }
0xcb: {  	[sflag:s30] =	ssyncadd.s32 $0xFFFFFE00  }
0xcc: {  	_ =	swait.ge [sflag:s30], $0x200  }
0xcd: {  	[sflag:s30] =	ssyncset.done $0x0  }
0xce: {  	[sflag:s30] =	ssyncadd.s32 $0xFFFFFE00  }
0xcf: {  	_ =	swait.ge [sflag:s30], $0x200  }
0xd0: {  	[sflag:s30] =	ssyncset.done $0x0  }
0xd1: {  	s31 =	sadd.s32 $0x1, s31;
	[sflag:s30] =	ssyncadd.s32 $0xFFFFFE00  }
0xd2: {  	p0 =	sne.s32 s31, s21;
	_ =	swait.ge [sflag:s30], $0x200  }
.Ltmp2:
0xd3: {  	[sflag:s30] =	ssyncset.done $0x0;
	(pc) =	sbr.rel @p0 .LBB2_1-.Ltmp2, $4  }
0xd4: {  	[sflag:s30] =	ssyncadd.s32 $0xFFFFFE00  }
0xd5: {  	_ =	swait.ge [sflag:s30], $0x200  }
0xd6: {  	[sflag:s30] =	ssyncset.done $0x0  }
0xd7: {  	[sflag:s30] =	ssyncadd.s32 $0xFFFFFE00  }
0xd8: {  	_ =	sfence.sel $0x180000  }
0xd9: {  	[bflag:$0x0] =	sbarrier.arrive $0xFFFF  }
0xda: {  	_ =	strace $0x90000047  }
0xdb: {  	s0 =	stileid.u32;
	[bflag:$0x2] =	sbarrier.arrive $0xFFFF  }
0xdc: {  	p0 =	sne.s32 s0, $0x0;
	s0 =	rddreg [dreg:$0x3]  }
0xdd: {  	s0 =	sadd.s32 @!p0 $0x100000, s0  }
0xde: {  	[sflag:s0] =	ssyncadd.tile.s32 @!p0 $0x1;
	_ =	shalt  }
.Lfunc_end2:
_tile_overlayer_lowered:
.L_overlay_start_2:
0xdf: {  	(tag) =	ssettag $0x2  }
0xe0: {  	s0 =	rddreg [dreg:$0x0];
	s2 =	stileid.u32  }
0xe1: {  	s1 =	rddreg [dreg:$0x1];
	p0 =	sne.s32 s2, $0x0  }
0xe2: {  	s3 =	rddreg [dreg:$0x2];
	[bflag:$0x3] =	sbarrier.arrive $0xFFFF;
	s2 =	simm.s32 @!p0 $0x1C03  }
0xe3: {  	[timem:s3], [sflag:s2] =	dma.local @!p0 [hbm:s0], s1  }
0xe4: {  	s0 =	simm.s32 @!p0 $0x3  }
0xe5: {  	_ =	swait.ge @!p0 [sflag:s0], s1  }
0xe6: {  	s1 =	ssub.s32 @!p0 $0x0, s1;
	[sflag:s0] =	ssyncset.done @!p0 $0x0  }
0xe7: {  	[sflag:s0] =	ssyncadd.s32 @!p0 s1  }
0xe8: {  	[bflag:$0x3] =	sbarrier.arrive $0xFFFF  }
0xe9: {  	_ =	shalt  }

</sc_bundles>
